<compile_context>
chip_gen: v7x
topology: tpu7x:2x2x1
jax: 0.10.2.dev20260603
libtpu: 0.0.44.dev20260713+nightly
codegen_flags: <defaults>
</compile_context>

<pallas_src>
import functools

import jax
import jax.numpy as jnp
from jax import lax
from jax.experimental import pallas as pl
from jax.experimental.pallas import tpu as pltpu
from jax.experimental.pallas import tpu_sc as plsc

_NC = 2
_NS = 16
_NW = _NC * _NS
_CH = 128
_L = 16

_TBLK = 8192


def _transpose_tc(tbl_t, v, d):
    grid = (v + _TBLK - 1) // _TBLK
    half = _TBLK // 2

    def body(in_ref, out_ref):
        out_ref[:, :d] = in_ref[:, :half].T
        out_ref[:, d:] = in_ref[:, half:].T

    return pl.pallas_call(
        body,
        grid=(grid,),
        in_specs=[pl.BlockSpec((d, _TBLK), lambda i: (0, i))],
        out_specs=pl.BlockSpec((half, 2 * d), lambda i: (i, 0)),
        out_shape=jax.ShapeDtypeStruct((grid * half, 2 * d), jnp.float32),
    )(tbl_t)


def _emb_lookup(idx, par, table, seq, d):
    mesh = plsc.VectorSubcoreMesh(core_axis_name="c", subcore_axis_name="s")

    @functools.partial(
        pl.kernel,
        mesh=mesh,
        out_type=jax.ShapeDtypeStruct((seq, d, _NW * _CH), jnp.float32),
        scratch_types=[
            pltpu.VMEM((seq, _CH), jnp.int32),
            pltpu.VMEM((seq, _CH), jnp.int32),
            pltpu.VMEM((2, _CH, 128), jnp.float32),
            pltpu.VMEM((2, d, _CH), jnp.float32),
            pltpu.SemaphoreType.DMA,
            pltpu.SemaphoreType.DMA,
            pltpu.SemaphoreType.DMA,
            pltpu.SemaphoreType.DMA,
        ],
        compiler_params=pltpu.CompilerParams(
            use_tc_tiling_on_sc=True, needs_layout_passes=False),
    )
    def body(idx_hbm, par_hbm, tbl_hbm, out_hbm, idx_v, par_v, rows_v, blk_v,
             g0, g1, o0, o1):
        wid = lax.axis_index("s") * _NC + lax.axis_index("c")
        lane0 = wid * _CH
        pltpu.sync_copy(idx_hbm.at[wid], idx_v)
        pltpu.sync_copy(par_hbm.at[wid], par_v)
        gsems = (g0, g1)
        osems = (o0, o1)

        def start_gather(k, b, sem):
            pltpu.async_copy(tbl_hbm.at[idx_v.at[k]], rows_v.at[b], sem)

        def wait_gather(b, sem):
            pltpu.make_async_copy(
                tbl_hbm.at[pl.ds(0, _CH)], rows_v.at[b], sem).wait()

        def start_out(k, b, sem):
            pltpu.async_copy(
                blk_v.at[b], out_hbm.at[k, :, pl.ds(lane0, _CH)], sem)

        def wait_out(b, sem):
            pltpu.make_async_copy(
                blk_v.at[b], out_hbm.at[0, :, pl.ds(lane0, _CH)], sem).wait()

        def assemble(b, k):
            rows = rows_v.at[b]
            blk = blk_v.at[b]
            kfull = jnp.full((_L,), k, jnp.int32)

            @plsc.parallel_loop(0, _CH, 1, unroll=8)
            def _(j):
                jfull = jnp.full((_L,), j, jnp.int32)
                poff = plsc.load_gather(par_v, [kfull, jfull]) * d
                for u in range(d // _L):
                    cidx = lax.iota(jnp.int32, _L) + _L * u
                    vals = plsc.load_gather(rows, [jfull, cidx + poff])
                    plsc.store_scatter(blk, [cidx, jfull], vals)

        start_gather(0, 0, gsems[0])

        def step(j, carry):
            for b in range(2):
                k = 2 * j + b
                o = 1 - b

                @pl.when(k + 1 < seq)
                def _():
                    start_gather(k + 1, o, gsems[o])

                wait_gather(b, gsems[b])

                @pl.when(k >= 2)
                def _():
                    wait_out(b, osems[b])

                assemble(b, k)
                start_out(k, b, osems[b])
            return carry

        lax.fori_loop(0, seq // 2, step, 0)
        wait_out(0, osems[0])
        wait_out(1, osems[1])

    return body(idx, par, table)


def kernel(inputs, embeddings):
    b, s = inputs.shape
    v, d = embeddings.shape
    blk_sh = _TBLK.bit_length() - 1
    p = inputs & (_TBLK - 1)
    staged = ((inputs >> blk_sh) << (blk_sh - 1)) | (p & (_TBLK // 2 - 1))
    idx = staged.reshape(_NW, _CH, s).transpose(0, 2, 1)
    par = (p >> (blk_sh - 1)).reshape(_NW, _CH, s).transpose(0, 2, 1)
    table = _transpose_tc(embeddings.T, v, d)
    out = _emb_lookup(idx, par, table, s, d)
    return jnp.transpose(out, (2, 0, 1))

# --- scband reference (transcript-rebuilt; emitter-appended) ---
"""Pipeline reference for scband-embedding-inputlayer-59957743452948 (READ-ONLY COPY).

The authoritative reference and input builder live on the scoring server;
editing this copy changes nothing except your own understanding.
"""

import jax, jax.numpy as jnp
import numpy as np

VOCAB = 1000000
EMBED = 64
BATCH = 4096
SEQ = 50

def setup_inputs(seed: int = 0) -> dict:
    key = jax.random.key(seed)
    k_idx, k_emb = jax.random.split(key)
    inputs = jax.random.randint(k_idx, (BATCH, SEQ), 0, VOCAB, dtype=jnp.int64 if jax.config.jax_enable_x64 else jnp.int32)
    # E_init = tf.random_uniform_initializer(-0.1, 0.1)
    embeddings = jax.random.uniform(k_emb, (VOCAB, EMBED), dtype=jnp.float32, minval=-0.1, maxval=0.1)
    return {"inputs": inputs, "embeddings": embeddings}

def reference(inputs, embeddings):
    # tf.nn.embedding_lookup(embeddings, inputs) -> (batch, num_steps, embedding_size)
    return jnp.take(embeddings, inputs, axis=0)

if __name__ == "__main__":
    import jax
    _d = setup_inputs()
    print(jax.jit(kernel)(*tuple(_d.values())))

</pallas_src>

<mosaic_0001>
#map = affine_map<(d0, d1) -> (0, 0, 0)>
#map1 = affine_map<(d0, d1) -> (0, 0)>
module attributes {stable_mosaic.version = 14 : i64} {
  func.func @body(%arg0: i32, %arg1: i32, %arg2: memref<32x50x128xi32, #tpu.memory_space<hbm>>, %arg3: memref<32x50x128xi32, #tpu.memory_space<hbm>>, %arg4: memref<503808x128xf32, #tpu.memory_space<hbm>>, %arg5: memref<50x64x4096xf32, #tpu.memory_space<hbm>>, %arg6: memref<50x128xi32, #tpu.memory_space<vmem>>, %arg7: memref<50x128xi32, #tpu.memory_space<vmem>>, %arg8: memref<2x128x128xf32, #tpu.memory_space<vmem>>, %arg9: memref<2x64x128xf32, #tpu.memory_space<vmem>>, %arg10: memref<!tpu.dma_semaphore, #tpu.memory_space<semaphore_mem>>, %arg11: memref<!tpu.dma_semaphore, #tpu.memory_space<semaphore_mem>>, %arg12: memref<!tpu.dma_semaphore, #tpu.memory_space<semaphore_mem>>, %arg13: memref<!tpu.dma_semaphore, #tpu.memory_space<semaphore_mem>>) attributes {dimension_semantics = [#tpu.dimension_semantics<core_parallel>, #tpu.dimension_semantics<subcore_parallel>], iteration_bounds = array<i64: 2, 16>, scalar_prefetch = 0 : i64, scratch_operands = 8 : i64, tpu.core_type = #tpu.core_type<sc_vector_subcore>, window_params = [{transform_indices = #map}, {transform_indices = #map}, {transform_indices = #map1}, {transform_indices = #map}]} {
    %mul3A = arith.constant 2 : i32
    %mul3A_0 = arith.muli %arg1, %mul3A : i32
    %add3A = arith.addi %mul3A_0, %arg0 : i32
    %mul3A_1 = arith.constant 128 : i32
    %mul3A_2 = arith.muli %add3A, %mul3A_1 : i32
    "tpu.region"() ({
      %run_scoped3A = tpu.sem_alloc : memref<!tpu.dma_semaphore, #tpu.memory_space<semaphore_mem>>
      %dma_start3A_50 = arith.constant 0 : i32
      %dma_start3A_51 = arith.constant 0 : i32
      %dma_start3A_52 = tpu.memref_slice %arg2[%add3A, %dma_start3A_50, %dma_start3A_51] : memref<32x50x128xi32, #tpu.memory_space<hbm>> -> memref<1x50x128xi32, #tpu.memory_space<hbm>>
      %dma_start3A_53 = tpu.memref_squeeze %dma_start3A_52 : memref<1x50x128xi32, #tpu.memory_space<hbm>> -> memref<50x128xi32, #tpu.memory_space<hbm>>
      %dma_start3A_54 = arith.constant 0 : i32
      %dma_start3A_55 = arith.constant 0 : i32
      %dma_start3A_56 = tpu.memref_slice %arg2[%add3A, %dma_start3A_54, %dma_start3A_55] : memref<32x50x128xi32, #tpu.memory_space<hbm>> -> memref<1x50x128xi32, #tpu.memory_space<hbm>>
      %dma_start3A_57 = tpu.memref_squeeze %dma_start3A_56 : memref<1x50x128xi32, #tpu.memory_space<hbm>> -> memref<50x128xi32, #tpu.memory_space<hbm>>
      tpu.enqueue_dma source(%dma_start3A_57 : memref<50x128xi32, #tpu.memory_space<hbm>>) target(%arg6 : memref<50x128xi32, #tpu.memory_space<vmem>>) target_semaphore(%run_scoped3A : memref<!tpu.dma_semaphore, #tpu.memory_space<semaphore_mem>>)
      %dma_wait3A_58 = arith.constant 0 : i32
      %dma_wait3A_59 = arith.constant 0 : i32
      %dma_wait3A_60 = tpu.memref_slice %arg2[%add3A, %dma_wait3A_58, %dma_wait3A_59] : memref<32x50x128xi32, #tpu.memory_space<hbm>> -> memref<1x50x128xi32, #tpu.memory_space<hbm>>
      %dma_wait3A_61 = tpu.memref_squeeze %dma_wait3A_60 : memref<1x50x128xi32, #tpu.memory_space<hbm>> -> memref<50x128xi32, #tpu.memory_space<hbm>>
      %dma_wait3A_62 = arith.constant 0 : i32
      %dma_wait3A_63 = arith.constant 0 : i32
      %dma_wait3A_64 = tpu.memref_slice %arg2[%add3A, %dma_wait3A_62, %dma_wait3A_63] : memref<32x50x128xi32, #tpu.memory_space<hbm>> -> memref<1x50x128xi32, #tpu.memory_space<hbm>>
      %dma_wait3A_65 = tpu.memref_squeeze %dma_wait3A_64 : memref<1x50x128xi32, #tpu.memory_space<hbm>> -> memref<50x128xi32, #tpu.memory_space<hbm>>
      tpu.wait_dma2 semaphore(%run_scoped3A : memref<!tpu.dma_semaphore, #tpu.memory_space<semaphore_mem>>) src(%dma_wait3A_65 : memref<50x128xi32, #tpu.memory_space<hbm>>) dst(%arg6 : memref<50x128xi32, #tpu.memory_space<vmem>>)
      tpu.yield
    }) : () -> ()
    "tpu.region"() ({
      %run_scoped3A = tpu.sem_alloc : memref<!tpu.dma_semaphore, #tpu.memory_space<semaphore_mem>>
      %dma_start3A_50 = arith.constant 0 : i32
      %dma_start3A_51 = arith.constant 0 : i32
      %dma_start3A_52 = tpu.memref_slice %arg3[%add3A, %dma_start3A_50, %dma_start3A_51] : memref<32x50x128xi32, #tpu.memory_space<hbm>> -> memref<1x50x128xi32, #tpu.memory_space<hbm>>
      %dma_start3A_53 = tpu.memref_squeeze %dma_start3A_52 : memref<1x50x128xi32, #tpu.memory_space<hbm>> -> memref<50x128xi32, #tpu.memory_space<hbm>>
      %dma_start3A_54 = arith.constant 0 : i32
      %dma_start3A_55 = arith.constant 0 : i32
      %dma_start3A_56 = tpu.memref_slice %arg3[%add3A, %dma_start3A_54, %dma_start3A_55] : memref<32x50x128xi32, #tpu.memory_space<hbm>> -> memref<1x50x128xi32, #tpu.memory_space<hbm>>
      %dma_start3A_57 = tpu.memref_squeeze %dma_start3A_56 : memref<1x50x128xi32, #tpu.memory_space<hbm>> -> memref<50x128xi32, #tpu.memory_space<hbm>>
      tpu.enqueue_dma source(%dma_start3A_57 : memref<50x128xi32, #tpu.memory_space<hbm>>) target(%arg7 : memref<50x128xi32, #tpu.memory_space<vmem>>) target_semaphore(%run_scoped3A : memref<!tpu.dma_semaphore, #tpu.memory_space<semaphore_mem>>)
      %dma_wait3A_58 = arith.constant 0 : i32
      %dma_wait3A_59 = arith.constant 0 : i32
      %dma_wait3A_60 = tpu.memref_slice %arg3[%add3A, %dma_wait3A_58, %dma_wait3A_59] : memref<32x50x128xi32, #tpu.memory_space<hbm>> -> memref<1x50x128xi32, #tpu.memory_space<hbm>>
      %dma_wait3A_61 = tpu.memref_squeeze %dma_wait3A_60 : memref<1x50x128xi32, #tpu.memory_space<hbm>> -> memref<50x128xi32, #tpu.memory_space<hbm>>
      %dma_wait3A_62 = arith.constant 0 : i32
      %dma_wait3A_63 = arith.constant 0 : i32
      %dma_wait3A_64 = tpu.memref_slice %arg3[%add3A, %dma_wait3A_62, %dma_wait3A_63] : memref<32x50x128xi32, #tpu.memory_space<hbm>> -> memref<1x50x128xi32, #tpu.memory_space<hbm>>
      %dma_wait3A_65 = tpu.memref_squeeze %dma_wait3A_64 : memref<1x50x128xi32, #tpu.memory_space<hbm>> -> memref<50x128xi32, #tpu.memory_space<hbm>>
      tpu.wait_dma2 semaphore(%run_scoped3A : memref<!tpu.dma_semaphore, #tpu.memory_space<semaphore_mem>>) src(%dma_wait3A_65 : memref<50x128xi32, #tpu.memory_space<hbm>>) dst(%arg7 : memref<50x128xi32, #tpu.memory_space<vmem>>)
      tpu.yield
    }) : () -> ()
    %dma_start3A = arith.constant 0 : i32
    %dma_start3A_3 = arith.constant 0 : i32
    %dma_start3A_4 = arith.constant 0 : i32
    %dma_start3A_5 = arith.constant 0 : i32
    %dma_start3A_6 = tpu.memref_slice %arg8[%dma_start3A_3, %dma_start3A_4, %dma_start3A_5] : memref<2x128x128xf32, #tpu.memory_space<vmem>> -> memref<1x128x128xf32, #tpu.memory_space<vmem>>
    %dma_start3A_7 = tpu.memref_squeeze %dma_start3A_6 : memref<1x128x128xf32, #tpu.memory_space<vmem>> -> memref<128x128xf32, #tpu.memory_space<vmem>>
    %dma_start3A_8 = arith.constant 0 : i32
    %dma_start3A_9 = tpu.memref_slice %arg6[%dma_start3A, %dma_start3A_8] : memref<50x128xi32, #tpu.memory_space<vmem>> -> memref<1x128xi32, #tpu.memory_space<vmem>>
    %dma_start3A_10 = tpu.memref_squeeze %dma_start3A_9 : memref<1x128xi32, #tpu.memory_space<vmem>> -> memref<128xi32, #tpu.memory_space<vmem>>
    %dma_start3A_11 = arith.constant 0 : i32
    %dma_start3A_12 = arith.constant 0 : i32
    %dma_start3A_13 = tpu.memref_slice %arg4[%dma_start3A_11, %dma_start3A_12] : memref<503808x128xf32, #tpu.memory_space<hbm>> -> memref<503808x128xf32, #tpu.memory_space<hbm>>
    tpu.enqueue_indirect_dma source(%dma_start3A_13 : memref<503808x128xf32, #tpu.memory_space<hbm>>) target(%dma_start3A_7 : memref<128x128xf32, #tpu.memory_space<vmem>>) offsets(%dma_start3A_10 : memref<128xi32, #tpu.memory_space<vmem>>) semaphore(%arg10 : memref<!tpu.dma_semaphore, #tpu.memory_space<semaphore_mem>>)
    %scan3A = arith.constant 0 : i32
    %scan3A_14 = arith.constant 0 : i32
    %scan3A_15 = arith.constant 25 : i32
    %scan3A_16 = arith.addi %scan3A_14, %scan3A_15 : i32
    %scan3A_17 = arith.constant 1 : i32
    scf.for %scan3A_50 = %scan3A_14 to %scan3A_16 step %scan3A_17  : i32 {
      %mul3A_51 = arith.constant 2 : i32
      %mul3A_52 = arith.muli %mul3A_51, %scan3A_50 : i32
      %add3A_53 = arith.constant 0 : i32
      %add3A_54 = arith.addi %mul3A_52, %add3A_53 : i32
      %add3A_55 = arith.constant 1 : i32
      %add3A_56 = arith.addi %add3A_54, %add3A_55 : i32
      %lt3A = arith.constant 50 : i32
      %lt3A_57 = arith.cmpi slt, %add3A_56, %lt3A : i32
      %convert_element_type3A = arith.extui %lt3A_57 : i1 to i32
      %cond3A = arith.constant 0 : i32
      %cond3A_58 = arith.cmpi ne, %convert_element_type3A, %cond3A : i32
      scf.if %cond3A_58 {
        %add3A_149 = arith.constant 1 : i32
        %add3A_150 = arith.addi %add3A_54, %add3A_149 : i32
        %dma_start3A_151 = arith.constant 1 : i32
        %dma_start3A_152 = arith.constant 0 : i32
        %dma_start3A_153 = arith.constant 0 : i32
        %dma_start3A_154 = tpu.memref_slice %arg8[%dma_start3A_151, %dma_start3A_152, %dma_start3A_153] : memref<2x128x128xf32, #tpu.memory_space<vmem>> -> memref<1x128x128xf32, #tpu.memory_space<vmem>>
        %dma_start3A_155 = tpu.memref_squeeze %dma_start3A_154 : memref<1x128x128xf32, #tpu.memory_space<vmem>> -> memref<128x128xf32, #tpu.memory_space<vmem>>
        %dma_start3A_156 = arith.constant 0 : i32
        %dma_start3A_157 = tpu.memref_slice %arg6[%add3A_150, %dma_start3A_156] : memref<50x128xi32, #tpu.memory_space<vmem>> -> memref<1x128xi32, #tpu.memory_space<vmem>>
        %dma_start3A_158 = tpu.memref_squeeze %dma_start3A_157 : memref<1x128xi32, #tpu.memory_space<vmem>> -> memref<128xi32, #tpu.memory_space<vmem>>
        %dma_start3A_159 = arith.constant 0 : i32
        %dma_start3A_160 = arith.constant 0 : i32
        %dma_start3A_161 = tpu.memref_slice %arg4[%dma_start3A_159, %dma_start3A_160] : memref<503808x128xf32, #tpu.memory_space<hbm>> -> memref<503808x128xf32, #tpu.memory_space<hbm>>
        tpu.enqueue_indirect_dma source(%dma_start3A_161 : memref<503808x128xf32, #tpu.memory_space<hbm>>) target(%dma_start3A_155 : memref<128x128xf32, #tpu.memory_space<vmem>>) offsets(%dma_start3A_158 : memref<128xi32, #tpu.memory_space<vmem>>) semaphore(%arg11 : memref<!tpu.dma_semaphore, #tpu.memory_space<semaphore_mem>>)
      } else {
      }
      %dma_wait3A_59 = arith.constant 0 : i32
      %dma_wait3A_60 = arith.constant 0 : i32
      %dma_wait3A_61 = arith.constant 0 : i32
      %dma_wait3A_62 = tpu.memref_slice %arg8[%dma_wait3A_59, %dma_wait3A_60, %dma_wait3A_61] : memref<2x128x128xf32, #tpu.memory_space<vmem>> -> memref<1x128x128xf32, #tpu.memory_space<vmem>>
      %dma_wait3A_63 = tpu.memref_squeeze %dma_wait3A_62 : memref<1x128x128xf32, #tpu.memory_space<vmem>> -> memref<128x128xf32, #tpu.memory_space<vmem>>
      %dma_wait3A_64 = arith.constant 0 : i32
      %dma_wait3A_65 = arith.constant 0 : i32
      %dma_wait3A_66 = tpu.memref_slice %arg4[%dma_wait3A_64, %dma_wait3A_65] : memref<503808x128xf32, #tpu.memory_space<hbm>> -> memref<128x128xf32, #tpu.memory_space<hbm>>
      %dma_wait3A_67 = arith.constant 0 : i32
      %dma_wait3A_68 = arith.constant 0 : i32
      %dma_wait3A_69 = tpu.memref_slice %arg8[%dma_wait3A_59, %dma_wait3A_67, %dma_wait3A_68] : memref<2x128x128xf32, #tpu.memory_space<vmem>> -> memref<1x128x128xf32, #tpu.memory_space<vmem>>
      %dma_wait3A_70 = tpu.memref_squeeze %dma_wait3A_69 : memref<1x128x128xf32, #tpu.memory_space<vmem>> -> memref<128x128xf32, #tpu.memory_space<vmem>>
      %dma_wait3A_71 = arith.constant 0 : i32
      %dma_wait3A_72 = arith.constant 0 : i32
      %dma_wait3A_73 = tpu.memref_slice %arg4[%dma_wait3A_71, %dma_wait3A_72] : memref<503808x128xf32, #tpu.memory_space<hbm>> -> memref<128x128xf32, #tpu.memory_space<hbm>>
      tpu.wait_dma2 semaphore(%arg10 : memref<!tpu.dma_semaphore, #tpu.memory_space<semaphore_mem>>) src(%dma_wait3A_73 : memref<128x128xf32, #tpu.memory_space<hbm>>) dst(%dma_wait3A_70 : memref<128x128xf32, #tpu.memory_space<vmem>>)
      %ge3A = arith.constant 2 : i32
      %ge3A_74 = arith.cmpi sge, %add3A_54, %ge3A : i32
      %convert_element_type3A_75 = arith.extui %ge3A_74 : i1 to i32
      %cond3A_76 = arith.constant 0 : i32
      %cond3A_77 = arith.cmpi ne, %convert_element_type3A_75, %cond3A_76 : i32
      scf.if %cond3A_77 {
        %dma_wait3A_149 = arith.constant 0 : i32
        %dma_wait3A_150 = arith.constant 0 : i32
        %dma_wait3A_151 = arith.constant 0 : i32
        %dma_wait3A_152 = arith.constant 0 : i32
        %dma_wait3A_153 = tpu.memref_slice %arg9[%dma_wait3A_149, %dma_wait3A_151, %dma_wait3A_152] : memref<2x64x128xf32, #tpu.memory_space<vmem>> -> memref<1x64x128xf32, #tpu.memory_space<vmem>>
        %dma_wait3A_154 = tpu.memref_squeeze %dma_wait3A_153 : memref<1x64x128xf32, #tpu.memory_space<vmem>> -> memref<64x128xf32, #tpu.memory_space<vmem>>
        %dma_wait3A_155 = arith.constant 0 : i32
        %dma_wait3A_156 = tpu.memref_slice %arg5[%dma_wait3A_150, %dma_wait3A_155, %mul3A_2] : memref<50x64x4096xf32, #tpu.memory_space<hbm>> -> memref<1x64x128xf32, #tpu.memory_space<hbm>>
        %dma_wait3A_157 = tpu.memref_squeeze %dma_wait3A_156 : memref<1x64x128xf32, #tpu.memory_space<hbm>> -> memref<64x128xf32, #tpu.memory_space<hbm>>
        %dma_wait3A_158 = arith.constant 0 : i32
        %dma_wait3A_159 = tpu.memref_slice %arg5[%dma_wait3A_150, %dma_wait3A_158, %mul3A_2] : memref<50x64x4096xf32, #tpu.memory_space<hbm>> -> memref<1x64x128xf32, #tpu.memory_space<hbm>>
        %dma_wait3A_160 = tpu.memref_squeeze %dma_wait3A_159 : memref<1x64x128xf32, #tpu.memory_space<hbm>> -> memref<64x128xf32, #tpu.memory_space<hbm>>
        %dma_wait3A_161 = arith.constant 0 : i32
        %dma_wait3A_162 = arith.constant 0 : i32
        %dma_wait3A_163 = tpu.memref_slice %arg9[%dma_wait3A_149, %dma_wait3A_161, %dma_wait3A_162] : memref<2x64x128xf32, #tpu.memory_space<vmem>> -> memref<1x64x128xf32, #tpu.memory_space<vmem>>
        %dma_wait3A_164 = tpu.memref_squeeze %dma_wait3A_163 : memref<1x64x128xf32, #tpu.memory_space<vmem>> -> memref<64x128xf32, #tpu.memory_space<vmem>>
        tpu.wait_dma2 semaphore(%arg12 : memref<!tpu.dma_semaphore, #tpu.memory_space<semaphore_mem>>) src(%dma_wait3A_164 : memref<64x128xf32, #tpu.memory_space<vmem>>) dst(%dma_wait3A_160 : memref<64x128xf32, #tpu.memory_space<hbm>>)
      } else {
      }
      %broadcast_in_dim3A = vector.broadcast %add3A_54 : i32 to vector<16xi32>
      %parallel_loop3A = arith.constant 0 : i32
      %parallel_loop3A_78 = arith.constant 128 : i32
      %parallel_loop3A_79 = arith.constant 1 : i32
      %parallel_loop3A_80 = arith.constant 0 : i32
      %parallel_loop3A_81 = arith.constant 0 : i32
      scf.for %parallel_loop3A_149 = %parallel_loop3A to %parallel_loop3A_78 step %parallel_loop3A_79  : i32 {
        %parallel_loop3A_150 = vector.broadcast %parallel_loop3A_149 : i32 to vector<16xi32>
        %parallel_loop3A_151 = tpu.vector_load_idx %arg7[%broadcast_in_dim3A, %parallel_loop3A_150] : memref<50x128xi32, #tpu.memory_space<vmem>>[vector<16xi32>, vector<16xi32>], vector<16xi32>,
        %parallel_loop3A_152 = arith.constant 64 : i32
        %parallel_loop3A_153 = vector.broadcast %parallel_loop3A_152 : i32 to vector<16xi32>
        %parallel_loop3A_154 = arith.muli %parallel_loop3A_151, %parallel_loop3A_153 : vector<16xi32>
        %parallel_loop3A_155 = tpu.iota {dimensions = array<i32: 0>} : vector<16xi32>
        %parallel_loop3A_156 = arith.constant 0 : i32
        %parallel_loop3A_157 = vector.broadcast %parallel_loop3A_156 : i32 to vector<16xi32>
        %parallel_loop3A_158 = arith.addi %parallel_loop3A_155, %parallel_loop3A_157 : vector<16xi32>
        %parallel_loop3A_159 = arith.addi %parallel_loop3A_158, %parallel_loop3A_154 : vector<16xi32>
        %parallel_loop3A_160 = arith.constant 0 : i32
        %parallel_loop3A_161 = arith.constant 0 : i32
        %parallel_loop3A_162 = tpu.memref_slice %arg8[%parallel_loop3A_80, %parallel_loop3A_160, %parallel_loop3A_161] : memref<2x128x128xf32, #tpu.memory_space<vmem>> -> memref<1x128x128xf32, #tpu.memory_space<vmem>>
        %parallel_loop3A_163 = tpu.memref_squeeze %parallel_loop3A_162 : memref<1x128x128xf32, #tpu.memory_space<vmem>> -> memref<128x128xf32, #tpu.memory_space<vmem>>
        %parallel_loop3A_164 = tpu.vector_load_idx %parallel_loop3A_163[%parallel_loop3A_150, %parallel_loop3A_159] : memref<128x128xf32, #tpu.memory_space<vmem>>[vector<16xi32>, vector<16xi32>], vector<16xf32>,
        %parallel_loop3A_165 = arith.constant 0 : i32
        %parallel_loop3A_166 = arith.constant 0 : i32
        %parallel_loop3A_167 = tpu.memref_slice %arg9[%parallel_loop3A_81, %parallel_loop3A_165, %parallel_loop3A_166] : memref<2x64x128xf32, #tpu.memory_space<vmem>> -> memref<1x64x128xf32, #tpu.memory_space<vmem>>
        %parallel_loop3A_168 = tpu.memref_squeeze %parallel_loop3A_167 : memref<1x64x128xf32, #tpu.memory_space<vmem>> -> memref<64x128xf32, #tpu.memory_space<vmem>>
        tpu.vector_store_idx %parallel_loop3A_168[%parallel_loop3A_158, %parallel_loop3A_150], %parallel_loop3A_164 : memref<64x128xf32, #tpu.memory_space<vmem>>[vector<16xi32>, vector<16xi32>], vector<16xf32>,
        %parallel_loop3A_169 = tpu.iota {dimensions = array<i32: 0>} : vector<16xi32>
        %parallel_loop3A_170 = arith.constant 16 : i32
        %parallel_loop3A_171 = vector.broadcast %parallel_loop3A_170 : i32 to vector<16xi32>
        %parallel_loop3A_172 = arith.addi %parallel_loop3A_169, %parallel_loop3A_171 : vector<16xi32>
        %parallel_loop3A_173 = arith.addi %parallel_loop3A_172, %parallel_loop3A_154 : vector<16xi32>
        %parallel_loop3A_174 = arith.constant 0 : i32
        %parallel_loop3A_175 = arith.constant 0 : i32
        %parallel_loop3A_176 = tpu.memref_slice %arg8[%parallel_loop3A_80, %parallel_loop3A_174, %parallel_loop3A_175] : memref<2x128x128xf32, #tpu.memory_space<vmem>> -> memref<1x128x128xf32, #tpu.memory_space<vmem>>
        %parallel_loop3A_177 = tpu.memref_squeeze %parallel_loop3A_176 : memref<1x128x128xf32, #tpu.memory_space<vmem>> -> memref<128x128xf32, #tpu.memory_space<vmem>>
        %parallel_loop3A_178 = tpu.vector_load_idx %parallel_loop3A_177[%parallel_loop3A_150, %parallel_loop3A_173] : memref<128x128xf32, #tpu.memory_space<vmem>>[vector<16xi32>, vector<16xi32>], vector<16xf32>,
        %parallel_loop3A_179 = arith.constant 0 : i32
        %parallel_loop3A_180 = arith.constant 0 : i32
        %parallel_loop3A_181 = tpu.memref_slice %arg9[%parallel_loop3A_81, %parallel_loop3A_179, %parallel_loop3A_180] : memref<2x64x128xf32, #tpu.memory_space<vmem>> -> memref<1x64x128xf32, #tpu.memory_space<vmem>>
        %parallel_loop3A_182 = tpu.memref_squeeze %parallel_loop3A_181 : memref<1x64x128xf32, #tpu.memory_space<vmem>> -> memref<64x128xf32, #tpu.memory_space<vmem>>
        tpu.vector_store_idx %parallel_loop3A_182[%parallel_loop3A_172, %parallel_loop3A_150], %parallel_loop3A_178 : memref<64x128xf32, #tpu.memory_space<vmem>>[vector<16xi32>, vector<16xi32>], vector<16xf32>,
        %parallel_loop3A_183 = tpu.iota {dimensions = array<i32: 0>} : vector<16xi32>
        %parallel_loop3A_184 = arith.constant 32 : i32
        %parallel_loop3A_185 = vector.broadcast %parallel_loop3A_184 : i32 to vector<16xi32>
        %parallel_loop3A_186 = arith.addi %parallel_loop3A_183, %parallel_loop3A_185 : vector<16xi32>
        %parallel_loop3A_187 = arith.addi %parallel_loop3A_186, %parallel_loop3A_154 : vector<16xi32>
        %parallel_loop3A_188 = arith.constant 0 : i32
        %parallel_loop3A_189 = arith.constant 0 : i32
        %parallel_loop3A_190 = tpu.memref_slice %arg8[%parallel_loop3A_80, %parallel_loop3A_188, %parallel_loop3A_189] : memref<2x128x128xf32, #tpu.memory_space<vmem>> -> memref<1x128x128xf32, #tpu.memory_space<vmem>>
        %parallel_loop3A_191 = tpu.memref_squeeze %parallel_loop3A_190 : memref<1x128x128xf32, #tpu.memory_space<vmem>> -> memref<128x128xf32, #tpu.memory_space<vmem>>
        %parallel_loop3A_192 = tpu.vector_load_idx %parallel_loop3A_191[%parallel_loop3A_150, %parallel_loop3A_187] : memref<128x128xf32, #tpu.memory_space<vmem>>[vector<16xi32>, vector<16xi32>], vector<16xf32>,
        %parallel_loop3A_193 = arith.constant 0 : i32
        %parallel_loop3A_194 = arith.constant 0 : i32
        %parallel_loop3A_195 = tpu.memref_slice %arg9[%parallel_loop3A_81, %parallel_loop3A_193, %parallel_loop3A_194] : memref<2x64x128xf32, #tpu.memory_space<vmem>> -> memref<1x64x128xf32, #tpu.memory_space<vmem>>
        %parallel_loop3A_196 = tpu.memref_squeeze %parallel_loop3A_195 : memref<1x64x128xf32, #tpu.memory_space<vmem>> -> memref<64x128xf32, #tpu.memory_space<vmem>>
        tpu.vector_store_idx %parallel_loop3A_196[%parallel_loop3A_186, %parallel_loop3A_150], %parallel_loop3A_192 : memref<64x128xf32, #tpu.memory_space<vmem>>[vector<16xi32>, vector<16xi32>], vector<16xf32>,
        %parallel_loop3A_197 = tpu.iota {dimensions = array<i32: 0>} : vector<16xi32>
        %parallel_loop3A_198 = arith.constant 48 : i32
        %parallel_loop3A_199 = vector.broadcast %parallel_loop3A_198 : i32 to vector<16xi32>
        %parallel_loop3A_200 = arith.addi %parallel_loop3A_197, %parallel_loop3A_199 : vector<16xi32>
        %parallel_loop3A_201 = arith.addi %parallel_loop3A_200, %parallel_loop3A_154 : vector<16xi32>
        %parallel_loop3A_202 = arith.constant 0 : i32
        %parallel_loop3A_203 = arith.constant 0 : i32
        %parallel_loop3A_204 = tpu.memref_slice %arg8[%parallel_loop3A_80, %parallel_loop3A_202, %parallel_loop3A_203] : memref<2x128x128xf32, #tpu.memory_space<vmem>> -> memref<1x128x128xf32, #tpu.memory_space<vmem>>
        %parallel_loop3A_205 = tpu.memref_squeeze %parallel_loop3A_204 : memref<1x128x128xf32, #tpu.memory_space<vmem>> -> memref<128x128xf32, #tpu.memory_space<vmem>>
        %parallel_loop3A_206 = tpu.vector_load_idx %parallel_loop3A_205[%parallel_loop3A_150, %parallel_loop3A_201] : memref<128x128xf32, #tpu.memory_space<vmem>>[vector<16xi32>, vector<16xi32>], vector<16xf32>,
        %parallel_loop3A_207 = arith.constant 0 : i32
        %parallel_loop3A_208 = arith.constant 0 : i32
        %parallel_loop3A_209 = tpu.memref_slice %arg9[%parallel_loop3A_81, %parallel_loop3A_207, %parallel_loop3A_208] : memref<2x64x128xf32, #tpu.memory_space<vmem>> -> memref<1x64x128xf32, #tpu.memory_space<vmem>>
        %parallel_loop3A_210 = tpu.memref_squeeze %parallel_loop3A_209 : memref<1x64x128xf32, #tpu.memory_space<vmem>> -> memref<64x128xf32, #tpu.memory_space<vmem>>
        tpu.vector_store_idx %parallel_loop3A_210[%parallel_loop3A_200, %parallel_loop3A_150], %parallel_loop3A_206 : memref<64x128xf32, #tpu.memory_space<vmem>>[vector<16xi32>, vector<16xi32>], vector<16xf32>,
      } {sc.loop_unroll_factor = 8 : i64, sc.parallel_access}
      %dma_start3A_82 = arith.constant 0 : i32
      %dma_start3A_83 = arith.constant 0 : i32
      %dma_start3A_84 = arith.constant 0 : i32
      %dma_start3A_85 = tpu.memref_slice %arg9[%dma_start3A_82, %dma_start3A_83, %dma_start3A_84] : memref<2x64x128xf32, #tpu.memory_space<vmem>> -> memref<1x64x128xf32, #tpu.memory_space<vmem>>
      %dma_start3A_86 = tpu.memref_squeeze %dma_start3A_85 : memref<1x64x128xf32, #tpu.memory_space<vmem>> -> memref<64x128xf32, #tpu.memory_space<vmem>>
      %dma_start3A_87 = arith.constant 0 : i32
      %dma_start3A_88 = tpu.memref_slice %arg5[%add3A_54, %dma_start3A_87, %mul3A_2] : memref<50x64x4096xf32, #tpu.memory_space<hbm>> -> memref<1x64x128xf32, #tpu.memory_space<hbm>>
      %dma_start3A_89 = tpu.memref_squeeze %dma_start3A_88 : memref<1x64x128xf32, #tpu.memory_space<hbm>> -> memref<64x128xf32, #tpu.memory_space<hbm>>
      %dma_start3A_90 = arith.constant 0 : i32
      %dma_start3A_91 = tpu.memref_slice %arg5[%add3A_54, %dma_start3A_90, %mul3A_2] : memref<50x64x4096xf32, #tpu.memory_space<hbm>> -> memref<1x64x128xf32, #tpu.memory_space<hbm>>
      %dma_start3A_92 = tpu.memref_squeeze %dma_start3A_91 : memref<1x64x128xf32, #tpu.memory_space<hbm>> -> memref<64x128xf32, #tpu.memory_space<hbm>>
      %dma_start3A_93 = arith.constant 0 : i32
      %dma_start3A_94 = arith.constant 0 : i32
      %dma_start3A_95 = tpu.memref_slice %arg9[%dma_start3A_82, %dma_start3A_93, %dma_start3A_94] : memref<2x64x128xf32, #tpu.memory_space<vmem>> -> memref<1x64x128xf32, #tpu.memory_space<vmem>>
      %dma_start3A_96 = tpu.memref_squeeze %dma_start3A_95 : memref<1x64x128xf32, #tpu.memory_space<vmem>> -> memref<64x128xf32, #tpu.memory_space<vmem>>
      tpu.enqueue_dma source(%dma_start3A_96 : memref<64x128xf32, #tpu.memory_space<vmem>>) target(%dma_start3A_92 : memref<64x128xf32, #tpu.memory_space<hbm>>) target_semaphore(%arg12 : memref<!tpu.dma_semaphore, #tpu.memory_space<semaphore_mem>>)
      %mul3A_97 = arith.constant 2 : i32
      %mul3A_98 = arith.muli %mul3A_97, %scan3A_50 : i32
      %add3A_99 = arith.constant 1 : i32
      %add3A_100 = arith.addi %mul3A_98, %add3A_99 : i32
      %add3A_101 = arith.constant 1 : i32
      %add3A_102 = arith.addi %add3A_100, %add3A_101 : i32
      %lt3A_103 = arith.constant 50 : i32
      %lt3A_104 = arith.cmpi slt, %add3A_102, %lt3A_103 : i32
      %convert_element_type3A_105 = arith.extui %lt3A_104 : i1 to i32
      %cond3A_106 = arith.constant 0 : i32
      %cond3A_107 = arith.cmpi ne, %convert_element_type3A_105, %cond3A_106 : i32
      scf.if %cond3A_107 {
        %add3A_149 = arith.constant 1 : i32
        %add3A_150 = arith.addi %add3A_100, %add3A_149 : i32
        %dma_start3A_151 = arith.constant 0 : i32
        %dma_start3A_152 = arith.constant 0 : i32
        %dma_start3A_153 = arith.constant 0 : i32
        %dma_start3A_154 = tpu.memref_slice %arg8[%dma_start3A_151, %dma_start3A_152, %dma_start3A_153] : memref<2x128x128xf32, #tpu.memory_space<vmem>> -> memref<1x128x128xf32, #tpu.memory_space<vmem>>
        %dma_start3A_155 = tpu.memref_squeeze %dma_start3A_154 : memref<1x128x128xf32, #tpu.memory_space<vmem>> -> memref<128x128xf32, #tpu.memory_space<vmem>>
        %dma_start3A_156 = arith.constant 0 : i32
        %dma_start3A_157 = tpu.memref_slice %arg6[%add3A_150, %dma_start3A_156] : memref<50x128xi32, #tpu.memory_space<vmem>> -> memref<1x128xi32, #tpu.memory_space<vmem>>
        %dma_start3A_158 = tpu.memref_squeeze %dma_start3A_157 : memref<1x128xi32, #tpu.memory_space<vmem>> -> memref<128xi32, #tpu.memory_space<vmem>>
        %dma_start3A_159 = arith.constant 0 : i32
        %dma_start3A_160 = arith.constant 0 : i32
        %dma_start3A_161 = tpu.memref_slice %arg4[%dma_start3A_159, %dma_start3A_160] : memref<503808x128xf32, #tpu.memory_space<hbm>> -> memref<503808x128xf32, #tpu.memory_space<hbm>>
        tpu.enqueue_indirect_dma source(%dma_start3A_161 : memref<503808x128xf32, #tpu.memory_space<hbm>>) target(%dma_start3A_155 : memref<128x128xf32, #tpu.memory_space<vmem>>) offsets(%dma_start3A_158 : memref<128xi32, #tpu.memory_space<vmem>>) semaphore(%arg10 : memref<!tpu.dma_semaphore, #tpu.memory_space<semaphore_mem>>)
      } else {
      }
      %dma_wait3A_108 = arith.constant 1 : i32
      %dma_wait3A_109 = arith.constant 0 : i32
      %dma_wait3A_110 = arith.constant 0 : i32
      %dma_wait3A_111 = tpu.memref_slice %arg8[%dma_wait3A_108, %dma_wait3A_109, %dma_wait3A_110] : memref<2x128x128xf32, #tpu.memory_space<vmem>> -> memref<1x128x128xf32, #tpu.memory_space<vmem>>
      %dma_wait3A_112 = tpu.memref_squeeze %dma_wait3A_111 : memref<1x128x128xf32, #tpu.memory_space<vmem>> -> memref<128x128xf32, #tpu.memory_space<vmem>>
      %dma_wait3A_113 = arith.constant 0 : i32
      %dma_wait3A_114 = arith.constant 0 : i32
      %dma_wait3A_115 = tpu.memref_slice %arg4[%dma_wait3A_113, %dma_wait3A_114] : memref<503808x128xf32, #tpu.memory_space<hbm>> -> memref<128x128xf32, #tpu.memory_space<hbm>>
      %dma_wait3A_116 = arith.constant 0 : i32
      %dma_wait3A_117 = arith.constant 0 : i32
      %dma_wait3A_118 = tpu.memref_slice %arg8[%dma_wait3A_108, %dma_wait3A_116, %dma_wait3A_117] : memref<2x128x128xf32, #tpu.memory_space<vmem>> -> memref<1x128x128xf32, #tpu.memory_space<vmem>>
      %dma_wait3A_119 = tpu.memref_squeeze %dma_wait3A_118 : memref<1x128x128xf32, #tpu.memory_space<vmem>> -> memref<128x128xf32, #tpu.memory_space<vmem>>
      %dma_wait3A_120 = arith.constant 0 : i32
      %dma_wait3A_121 = arith.constant 0 : i32
      %dma_wait3A_122 = tpu.memref_slice %arg4[%dma_wait3A_120, %dma_wait3A_121] : memref<503808x128xf32, #tpu.memory_space<hbm>> -> memref<128x128xf32, #tpu.memory_space<hbm>>
      tpu.wait_dma2 semaphore(%arg11 : memref<!tpu.dma_semaphore, #tpu.memory_space<semaphore_mem>>) src(%dma_wait3A_122 : memref<128x128xf32, #tpu.memory_space<hbm>>) dst(%dma_wait3A_119 : memref<128x128xf32, #tpu.memory_space<vmem>>)
      %ge3A_123 = arith.constant 2 : i32
      %ge3A_124 = arith.cmpi sge, %add3A_100, %ge3A_123 : i32
      %convert_element_type3A_125 = arith.extui %ge3A_124 : i1 to i32
      %cond3A_126 = arith.constant 0 : i32
      %cond3A_127 = arith.cmpi ne, %convert_element_type3A_125, %cond3A_126 : i32
      scf.if %cond3A_127 {
        %dma_wait3A_149 = arith.constant 1 : i32
        %dma_wait3A_150 = arith.constant 0 : i32
        %dma_wait3A_151 = arith.constant 0 : i32
        %dma_wait3A_152 = arith.constant 0 : i32
        %dma_wait3A_153 = tpu.memref_slice %arg9[%dma_wait3A_149, %dma_wait3A_151, %dma_wait3A_152] : memref<2x64x128xf32, #tpu.memory_space<vmem>> -> memref<1x64x128xf32, #tpu.memory_space<vmem>>
        %dma_wait3A_154 = tpu.memref_squeeze %dma_wait3A_153 : memref<1x64x128xf32, #tpu.memory_space<vmem>> -> memref<64x128xf32, #tpu.memory_space<vmem>>
        %dma_wait3A_155 = arith.constant 0 : i32
        %dma_wait3A_156 = tpu.memref_slice %arg5[%dma_wait3A_150, %dma_wait3A_155, %mul3A_2] : memref<50x64x4096xf32, #tpu.memory_space<hbm>> -> memref<1x64x128xf32, #tpu.memory_space<hbm>>
        %dma_wait3A_157 = tpu.memref_squeeze %dma_wait3A_156 : memref<1x64x128xf32, #tpu.memory_space<hbm>> -> memref<64x128xf32, #tpu.memory_space<hbm>>
        %dma_wait3A_158 = arith.constant 0 : i32
        %dma_wait3A_159 = tpu.memref_slice %arg5[%dma_wait3A_150, %dma_wait3A_158, %mul3A_2] : memref<50x64x4096xf32, #tpu.memory_space<hbm>> -> memref<1x64x128xf32, #tpu.memory_space<hbm>>
        %dma_wait3A_160 = tpu.memref_squeeze %dma_wait3A_159 : memref<1x64x128xf32, #tpu.memory_space<hbm>> -> memref<64x128xf32, #tpu.memory_space<hbm>>
        %dma_wait3A_161 = arith.constant 0 : i32
        %dma_wait3A_162 = arith.constant 0 : i32
        %dma_wait3A_163 = tpu.memref_slice %arg9[%dma_wait3A_149, %dma_wait3A_161, %dma_wait3A_162] : memref<2x64x128xf32, #tpu.memory_space<vmem>> -> memref<1x64x128xf32, #tpu.memory_space<vmem>>
        %dma_wait3A_164 = tpu.memref_squeeze %dma_wait3A_163 : memref<1x64x128xf32, #tpu.memory_space<vmem>> -> memref<64x128xf32, #tpu.memory_space<vmem>>
        tpu.wait_dma2 semaphore(%arg13 : memref<!tpu.dma_semaphore, #tpu.memory_space<semaphore_mem>>) src(%dma_wait3A_164 : memref<64x128xf32, #tpu.memory_space<vmem>>) dst(%dma_wait3A_160 : memref<64x128xf32, #tpu.memory_space<hbm>>)
      } else {
      }
      %broadcast_in_dim3A_128 = vector.broadcast %add3A_100 : i32 to vector<16xi32>
      %parallel_loop3A_129 = arith.constant 0 : i32
      %parallel_loop3A_130 = arith.constant 128 : i32
      %parallel_loop3A_131 = arith.constant 1 : i32
      %parallel_loop3A_132 = arith.constant 1 : i32
      %parallel_loop3A_133 = arith.constant 1 : i32
      scf.for %parallel_loop3A_149 = %parallel_loop3A_129 to %parallel_loop3A_130 step %parallel_loop3A_131  : i32 {
        %parallel_loop3A_150 = vector.broadcast %parallel_loop3A_149 : i32 to vector<16xi32>
        %parallel_loop3A_151 = tpu.vector_load_idx %arg7[%broadcast_in_dim3A_128, %parallel_loop3A_150] : memref<50x128xi32, #tpu.memory_space<vmem>>[vector<16xi32>, vector<16xi32>], vector<16xi32>,
        %parallel_loop3A_152 = arith.constant 64 : i32
        %parallel_loop3A_153 = vector.broadcast %parallel_loop3A_152 : i32 to vector<16xi32>
        %parallel_loop3A_154 = arith.muli %parallel_loop3A_151, %parallel_loop3A_153 : vector<16xi32>
        %parallel_loop3A_155 = tpu.iota {dimensions = array<i32: 0>} : vector<16xi32>
        %parallel_loop3A_156 = arith.constant 0 : i32
        %parallel_loop3A_157 = vector.broadcast %parallel_loop3A_156 : i32 to vector<16xi32>
        %parallel_loop3A_158 = arith.addi %parallel_loop3A_155, %parallel_loop3A_157 : vector<16xi32>
        %parallel_loop3A_159 = arith.addi %parallel_loop3A_158, %parallel_loop3A_154 : vector<16xi32>
        %parallel_loop3A_160 = arith.constant 0 : i32
        %parallel_loop3A_161 = arith.constant 0 : i32
        %parallel_loop3A_162 = tpu.memref_slice %arg8[%parallel_loop3A_132, %parallel_loop3A_160, %parallel_loop3A_161] : memref<2x128x128xf32, #tpu.memory_space<vmem>> -> memref<1x128x128xf32, #tpu.memory_space<vmem>>
        %parallel_loop3A_163 = tpu.memref_squeeze %parallel_loop3A_162 : memref<1x128x128xf32, #tpu.memory_space<vmem>> -> memref<128x128xf32, #tpu.memory_space<vmem>>
        %parallel_loop3A_164 = tpu.vector_load_idx %parallel_loop3A_163[%parallel_loop3A_150, %parallel_loop3A_159] : memref<128x128xf32, #tpu.memory_space<vmem>>[vector<16xi32>, vector<16xi32>], vector<16xf32>,
        %parallel_loop3A_165 = arith.constant 0 : i32
        %parallel_loop3A_166 = arith.constant 0 : i32
        %parallel_loop3A_167 = tpu.memref_slice %arg9[%parallel_loop3A_133, %parallel_loop3A_165, %parallel_loop3A_166] : memref<2x64x128xf32, #tpu.memory_space<vmem>> -> memref<1x64x128xf32, #tpu.memory_space<vmem>>
        %parallel_loop3A_168 = tpu.memref_squeeze %parallel_loop3A_167 : memref<1x64x128xf32, #tpu.memory_space<vmem>> -> memref<64x128xf32, #tpu.memory_space<vmem>>
        tpu.vector_store_idx %parallel_loop3A_168[%parallel_loop3A_158, %parallel_loop3A_150], %parallel_loop3A_164 : memref<64x128xf32, #tpu.memory_space<vmem>>[vector<16xi32>, vector<16xi32>], vector<16xf32>,
        %parallel_loop3A_169 = tpu.iota {dimensions = array<i32: 0>} : vector<16xi32>
        %parallel_loop3A_170 = arith.constant 16 : i32
        %parallel_loop3A_171 = vector.broadcast %parallel_loop3A_170 : i32 to vector<16xi32>
        %parallel_loop3A_172 = arith.addi %parallel_loop3A_169, %parallel_loop3A_171 : vector<16xi32>
        %parallel_loop3A_173 = arith.addi %parallel_loop3A_172, %parallel_loop3A_154 : vector<16xi32>
        %parallel_loop3A_174 = arith.constant 0 : i32
        %parallel_loop3A_175 = arith.constant 0 : i32
        %parallel_loop3A_176 = tpu.memref_slice %arg8[%parallel_loop3A_132, %parallel_loop3A_174, %parallel_loop3A_175] : memref<2x128x128xf32, #tpu.memory_space<vmem>> -> memref<1x128x128xf32, #tpu.memory_space<vmem>>
        %parallel_loop3A_177 = tpu.memref_squeeze %parallel_loop3A_176 : memref<1x128x128xf32, #tpu.memory_space<vmem>> -> memref<128x128xf32, #tpu.memory_space<vmem>>
        %parallel_loop3A_178 = tpu.vector_load_idx %parallel_loop3A_177[%parallel_loop3A_150, %parallel_loop3A_173] : memref<128x128xf32, #tpu.memory_space<vmem>>[vector<16xi32>, vector<16xi32>], vector<16xf32>,
        %parallel_loop3A_179 = arith.constant 0 : i32
        %parallel_loop3A_180 = arith.constant 0 : i32
        %parallel_loop3A_181 = tpu.memref_slice %arg9[%parallel_loop3A_133, %parallel_loop3A_179, %parallel_loop3A_180] : memref<2x64x128xf32, #tpu.memory_space<vmem>> -> memref<1x64x128xf32, #tpu.memory_space<vmem>>
        %parallel_loop3A_182 = tpu.memref_squeeze %parallel_loop3A_181 : memref<1x64x128xf32, #tpu.memory_space<vmem>> -> memref<64x128xf32, #tpu.memory_space<vmem>>
        tpu.vector_store_idx %parallel_loop3A_182[%parallel_loop3A_172, %parallel_loop3A_150], %parallel_loop3A_178 : memref<64x128xf32, #tpu.memory_space<vmem>>[vector<16xi32>, vector<16xi32>], vector<16xf32>,
        %parallel_loop3A_183 = tpu.iota {dimensions = array<i32: 0>} : vector<16xi32>
        %parallel_loop3A_184 = arith.constant 32 : i32
        %parallel_loop3A_185 = vector.broadcast %parallel_loop3A_184 : i32 to vector<16xi32>
        %parallel_loop3A_186 = arith.addi %parallel_loop3A_183, %parallel_loop3A_185 : vector<16xi32>
        %parallel_loop3A_187 = arith.addi %parallel_loop3A_186, %parallel_loop3A_154 : vector<16xi32>
        %parallel_loop3A_188 = arith.constant 0 : i32
        %parallel_loop3A_189 = arith.constant 0 : i32
        %parallel_loop3A_190 = tpu.memref_slice %arg8[%parallel_loop3A_132, %parallel_loop3A_188, %parallel_loop3A_189] : memref<2x128x128xf32, #tpu.memory_space<vmem>> -> memref<1x128x128xf32, #tpu.memory_space<vmem>>
        %parallel_loop3A_191 = tpu.memref_squeeze %parallel_loop3A_190 : memref<1x128x128xf32, #tpu.memory_space<vmem>> -> memref<128x128xf32, #tpu.memory_space<vmem>>
        %parallel_loop3A_192 = tpu.vector_load_idx %parallel_loop3A_191[%parallel_loop3A_150, %parallel_loop3A_187] : memref<128x128xf32, #tpu.memory_space<vmem>>[vector<16xi32>, vector<16xi32>], vector<16xf32>,
        %parallel_loop3A_193 = arith.constant 0 : i32
        %parallel_loop3A_194 = arith.constant 0 : i32
        %parallel_loop3A_195 = tpu.memref_slice %arg9[%parallel_loop3A_133, %parallel_loop3A_193, %parallel_loop3A_194] : memref<2x64x128xf32, #tpu.memory_space<vmem>> -> memref<1x64x128xf32, #tpu.memory_space<vmem>>
        %parallel_loop3A_196 = tpu.memref_squeeze %parallel_loop3A_195 : memref<1x64x128xf32, #tpu.memory_space<vmem>> -> memref<64x128xf32, #tpu.memory_space<vmem>>
        tpu.vector_store_idx %parallel_loop3A_196[%parallel_loop3A_186, %parallel_loop3A_150], %parallel_loop3A_192 : memref<64x128xf32, #tpu.memory_space<vmem>>[vector<16xi32>, vector<16xi32>], vector<16xf32>,
        %parallel_loop3A_197 = tpu.iota {dimensions = array<i32: 0>} : vector<16xi32>
        %parallel_loop3A_198 = arith.constant 48 : i32
        %parallel_loop3A_199 = vector.broadcast %parallel_loop3A_198 : i32 to vector<16xi32>
        %parallel_loop3A_200 = arith.addi %parallel_loop3A_197, %parallel_loop3A_199 : vector<16xi32>
        %parallel_loop3A_201 = arith.addi %parallel_loop3A_200, %parallel_loop3A_154 : vector<16xi32>
        %parallel_loop3A_202 = arith.constant 0 : i32
        %parallel_loop3A_203 = arith.constant 0 : i32
        %parallel_loop3A_204 = tpu.memref_slice %arg8[%parallel_loop3A_132, %parallel_loop3A_202, %parallel_loop3A_203] : memref<2x128x128xf32, #tpu.memory_space<vmem>> -> memref<1x128x128xf32, #tpu.memory_space<vmem>>
        %parallel_loop3A_205 = tpu.memref_squeeze %parallel_loop3A_204 : memref<1x128x128xf32, #tpu.memory_space<vmem>> -> memref<128x128xf32, #tpu.memory_space<vmem>>
        %parallel_loop3A_206 = tpu.vector_load_idx %parallel_loop3A_205[%parallel_loop3A_150, %parallel_loop3A_201] : memref<128x128xf32, #tpu.memory_space<vmem>>[vector<16xi32>, vector<16xi32>], vector<16xf32>,
        %parallel_loop3A_207 = arith.constant 0 : i32
        %parallel_loop3A_208 = arith.constant 0 : i32
        %parallel_loop3A_209 = tpu.memref_slice %arg9[%parallel_loop3A_133, %parallel_loop3A_207, %parallel_loop3A_208] : memref<2x64x128xf32, #tpu.memory_space<vmem>> -> memref<1x64x128xf32, #tpu.memory_space<vmem>>
        %parallel_loop3A_210 = tpu.memref_squeeze %parallel_loop3A_209 : memref<1x64x128xf32, #tpu.memory_space<vmem>> -> memref<64x128xf32, #tpu.memory_space<vmem>>
        tpu.vector_store_idx %parallel_loop3A_210[%parallel_loop3A_200, %parallel_loop3A_150], %parallel_loop3A_206 : memref<64x128xf32, #tpu.memory_space<vmem>>[vector<16xi32>, vector<16xi32>], vector<16xf32>,
      } {sc.loop_unroll_factor = 8 : i64, sc.parallel_access}
      %dma_start3A_134 = arith.constant 1 : i32
      %dma_start3A_135 = arith.constant 0 : i32
      %dma_start3A_136 = arith.constant 0 : i32
      %dma_start3A_137 = tpu.memref_slice %arg9[%dma_start3A_134, %dma_start3A_135, %dma_start3A_136] : memref<2x64x128xf32, #tpu.memory_space<vmem>> -> memref<1x64x128xf32, #tpu.memory_space<vmem>>
      %dma_start3A_138 = tpu.memref_squeeze %dma_start3A_137 : memref<1x64x128xf32, #tpu.memory_space<vmem>> -> memref<64x128xf32, #tpu.memory_space<vmem>>
      %dma_start3A_139 = arith.constant 0 : i32
      %dma_start3A_140 = tpu.memref_slice %arg5[%add3A_100, %dma_start3A_139, %mul3A_2] : memref<50x64x4096xf32, #tpu.memory_space<hbm>> -> memref<1x64x128xf32, #tpu.memory_space<hbm>>
      %dma_start3A_141 = tpu.memref_squeeze %dma_start3A_140 : memref<1x64x128xf32, #tpu.memory_space<hbm>> -> memref<64x128xf32, #tpu.memory_space<hbm>>
      %dma_start3A_142 = arith.constant 0 : i32
      %dma_start3A_143 = tpu.memref_slice %arg5[%add3A_100, %dma_start3A_142, %mul3A_2] : memref<50x64x4096xf32, #tpu.memory_space<hbm>> -> memref<1x64x128xf32, #tpu.memory_space<hbm>>
      %dma_start3A_144 = tpu.memref_squeeze %dma_start3A_143 : memref<1x64x128xf32, #tpu.memory_space<hbm>> -> memref<64x128xf32, #tpu.memory_space<hbm>>
      %dma_start3A_145 = arith.constant 0 : i32
      %dma_start3A_146 = arith.constant 0 : i32
      %dma_start3A_147 = tpu.memref_slice %arg9[%dma_start3A_134, %dma_start3A_145, %dma_start3A_146] : memref<2x64x128xf32, #tpu.memory_space<vmem>> -> memref<1x64x128xf32, #tpu.memory_space<vmem>>
      %dma_start3A_148 = tpu.memref_squeeze %dma_start3A_147 : memref<1x64x128xf32, #tpu.memory_space<vmem>> -> memref<64x128xf32, #tpu.memory_space<vmem>>
      tpu.enqueue_dma source(%dma_start3A_148 : memref<64x128xf32, #tpu.memory_space<vmem>>) target(%dma_start3A_144 : memref<64x128xf32, #tpu.memory_space<hbm>>) target_semaphore(%arg13 : memref<!tpu.dma_semaphore, #tpu.memory_space<semaphore_mem>>)
    }
    %scan3A_18 = arith.constant 25 : i32
    %dma_wait3A = arith.constant 0 : i32
    %dma_wait3A_19 = arith.constant 0 : i32
    %dma_wait3A_20 = arith.constant 0 : i32
    %dma_wait3A_21 = arith.constant 0 : i32
    %dma_wait3A_22 = tpu.memref_slice %arg9[%dma_wait3A, %dma_wait3A_20, %dma_wait3A_21] : memref<2x64x128xf32, #tpu.memory_space<vmem>> -> memref<1x64x128xf32, #tpu.memory_space<vmem>>
    %dma_wait3A_23 = tpu.memref_squeeze %dma_wait3A_22 : memref<1x64x128xf32, #tpu.memory_space<vmem>> -> memref<64x128xf32, #tpu.memory_space<vmem>>
    %dma_wait3A_24 = arith.constant 0 : i32
    %dma_wait3A_25 = tpu.memref_slice %arg5[%dma_wait3A_19, %dma_wait3A_24, %mul3A_2] : memref<50x64x4096xf32, #tpu.memory_space<hbm>> -> memref<1x64x128xf32, #tpu.memory_space<hbm>>
    %dma_wait3A_26 = tpu.memref_squeeze %dma_wait3A_25 : memref<1x64x128xf32, #tpu.memory_space<hbm>> -> memref<64x128xf32, #tpu.memory_space<hbm>>
    %dma_wait3A_27 = arith.constant 0 : i32
    %dma_wait3A_28 = tpu.memref_slice %arg5[%dma_wait3A_19, %dma_wait3A_27, %mul3A_2] : memref<50x64x4096xf32, #tpu.memory_space<hbm>> -> memref<1x64x128xf32, #tpu.memory_space<hbm>>
    %dma_wait3A_29 = tpu.memref_squeeze %dma_wait3A_28 : memref<1x64x128xf32, #tpu.memory_space<hbm>> -> memref<64x128xf32, #tpu.memory_space<hbm>>
    %dma_wait3A_30 = arith.constant 0 : i32
    %dma_wait3A_31 = arith.constant 0 : i32
    %dma_wait3A_32 = tpu.memref_slice %arg9[%dma_wait3A, %dma_wait3A_30, %dma_wait3A_31] : memref<2x64x128xf32, #tpu.memory_space<vmem>> -> memref<1x64x128xf32, #tpu.memory_space<vmem>>
    %dma_wait3A_33 = tpu.memref_squeeze %dma_wait3A_32 : memref<1x64x128xf32, #tpu.memory_space<vmem>> -> memref<64x128xf32, #tpu.memory_space<vmem>>
    tpu.wait_dma2 semaphore(%arg12 : memref<!tpu.dma_semaphore, #tpu.memory_space<semaphore_mem>>) src(%dma_wait3A_33 : memref<64x128xf32, #tpu.memory_space<vmem>>) dst(%dma_wait3A_29 : memref<64x128xf32, #tpu.memory_space<hbm>>)
    %dma_wait3A_34 = arith.constant 1 : i32
    %dma_wait3A_35 = arith.constant 0 : i32
    %dma_wait3A_36 = arith.constant 0 : i32
    %dma_wait3A_37 = arith.constant 0 : i32
    %dma_wait3A_38 = tpu.memref_slice %arg9[%dma_wait3A_34, %dma_wait3A_36, %dma_wait3A_37] : memref<2x64x128xf32, #tpu.memory_space<vmem>> -> memref<1x64x128xf32, #tpu.memory_space<vmem>>
    %dma_wait3A_39 = tpu.memref_squeeze %dma_wait3A_38 : memref<1x64x128xf32, #tpu.memory_space<vmem>> -> memref<64x128xf32, #tpu.memory_space<vmem>>
    %dma_wait3A_40 = arith.constant 0 : i32
    %dma_wait3A_41 = tpu.memref_slice %arg5[%dma_wait3A_35, %dma_wait3A_40, %mul3A_2] : memref<50x64x4096xf32, #tpu.memory_space<hbm>> -> memref<1x64x128xf32, #tpu.memory_space<hbm>>
    %dma_wait3A_42 = tpu.memref_squeeze %dma_wait3A_41 : memref<1x64x128xf32, #tpu.memory_space<hbm>> -> memref<64x128xf32, #tpu.memory_space<hbm>>
    %dma_wait3A_43 = arith.constant 0 : i32
    %dma_wait3A_44 = tpu.memref_slice %arg5[%dma_wait3A_35, %dma_wait3A_43, %mul3A_2] : memref<50x64x4096xf32, #tpu.memory_space<hbm>> -> memref<1x64x128xf32, #tpu.memory_space<hbm>>
    %dma_wait3A_45 = tpu.memref_squeeze %dma_wait3A_44 : memref<1x64x128xf32, #tpu.memory_space<hbm>> -> memref<64x128xf32, #tpu.memory_space<hbm>>
    %dma_wait3A_46 = arith.constant 0 : i32
    %dma_wait3A_47 = arith.constant 0 : i32
    %dma_wait3A_48 = tpu.memref_slice %arg9[%dma_wait3A_34, %dma_wait3A_46, %dma_wait3A_47] : memref<2x64x128xf32, #tpu.memory_space<vmem>> -> memref<1x64x128xf32, #tpu.memory_space<vmem>>
    %dma_wait3A_49 = tpu.memref_squeeze %dma_wait3A_48 : memref<1x64x128xf32, #tpu.memory_space<vmem>> -> memref<64x128xf32, #tpu.memory_space<vmem>>
    tpu.wait_dma2 semaphore(%arg13 : memref<!tpu.dma_semaphore, #tpu.memory_space<semaphore_mem>>) src(%dma_wait3A_49 : memref<64x128xf32, #tpu.memory_space<vmem>>) dst(%dma_wait3A_45 : memref<64x128xf32, #tpu.memory_space<hbm>>)
    return
  }
}

module attributes {stable_mosaic.version = 14 : i64} {
  func.func @body(%arg0: i32, %arg1: memref<64x8192xf32, #tpu.memory_space<vmem>>, %arg2: memref<4096x128xf32, #tpu.memory_space<vmem>>) attributes {dimension_semantics = [#tpu.dimension_semantics<arbitrary>], iteration_bounds = array<i64: 123>, scalar_prefetch = 0 : i64, scratch_operands = 0 : i64, tpu.core_type = #tpu.core_type<tc>, window_params = [{transform_indices = @transform_0, window_bounds = array<i64: 64, 8192>}, {transform_indices = @transform_1, window_bounds = array<i64: 4096, 128>}]} {
    %get3A = arith.constant 0 : index
    %get3A_0 = arith.constant 0 : index
    %get3A_1 = vector.load %arg1[%get3A, %get3A_0] : memref<64x8192xf32, #tpu.memory_space<vmem>>, vector<64x4096xf32>
    %transpose3A = tpu.transpose %get3A_1, [1, 0] : vector<64x4096xf32> -> vector<4096x64xf32>
    %swap3A = arith.constant 0 : index
    %swap3A_2 = arith.constant 0 : index
    %swap3A_3 = vector.load %arg2[%swap3A, %swap3A_2] : memref<4096x128xf32, #tpu.memory_space<vmem>>, vector<4096x64xf32>
    tpu.vector_store %arg2[%swap3A, %swap3A_2], %transpose3A {strides = array<i32>} : memref<4096x128xf32, #tpu.memory_space<vmem>>, vector<4096x64xf32>,
    %get3A_4 = arith.constant 0 : index
    %get3A_5 = arith.constant 4096 : index
    %get3A_6 = vector.load %arg1[%get3A_4, %get3A_5] : memref<64x8192xf32, #tpu.memory_space<vmem>>, vector<64x4096xf32>
    %transpose3A_7 = tpu.transpose %get3A_6, [1, 0] : vector<64x4096xf32> -> vector<4096x64xf32>
    %swap3A_8 = arith.constant 0 : index
    %swap3A_9 = arith.constant 64 : index
    %swap3A_10 = vector.load %arg2[%swap3A_8, %swap3A_9] : memref<4096x128xf32, #tpu.memory_space<vmem>>, vector<4096x64xf32>
    tpu.vector_store %arg2[%swap3A_8, %swap3A_9], %transpose3A_7 {strides = array<i32>} : memref<4096x128xf32, #tpu.memory_space<vmem>>, vector<4096x64xf32>,
    return
  }
  func.func @transform_0(%arg0: i32) -> (i32, i32) {
    %c0_i32 = arith.constant 0 : i32
    %c0_i32_0 = arith.constant 0 : i32
    return %c0_i32, %arg0 : i32, i32
  }
  func.func @transform_1(%arg0: i32) -> (i32, i32) {
    %c0_i32 = arith.constant 0 : i32
    %c0_i32_0 = arith.constant 0 : i32
    return %arg0, %c0_i32 : i32, i32
  }
}

</mosaic_0001>

<sc_bundles>
// kernel: kernel.4.cloned.1.call-start
scs
__scs_entry_jumppad:
0x0: {  	(pc) =	sbr.rel $0x88, $3  }
0x1: {  	(tag) =	ssettag $0x0;
	lr =	simm.s32 $0x1  }
0x2: {  	[smem:$0x3F9F] =	sst lr;
	_ =	strace $0xD0000000  }
0x3: {  	_ = 	snop  }
0x4: {  	_ = 	snop  }
0x5: {  	_ = 	snop  }
0x6: {  	_ = 	snop  }
0x7: {  	_ = 	snop  }
__scs_overlays_trampoline_lowered:
0x8: {  	[smem:$0x3FAE] =	sst s0  }
0x9: {  	[smem:$0x3FAF] =	sst s1  }
0xa: {  	[smem:$0x3FB0] =	sst s2  }
0xb: {  	[smem:$0x3FB1] =	sst s3  }
0xc: {  	[smem:$0x3FB2] =	sst s4  }
0xd: {  	[smem:$0x3FB3] =	sst s5  }
0xe: {  	[smem:$0x3FB4] =	sst s6  }
0xf: {  	[smem:$0x3FB5] =	sst s7  }
0x10: {  	[smem:$0x3FB6] =	sst s8  }
0x11: {  	[smem:$0x3FB7] =	sst s9;
	s0 =	simm.s32 @!p0 $0x0  }
0x12: {  	s1 =	sld [smem:$0x3F9D];
	s0 =	simm.s32 @p0 $0x1  }
0x13: {  	[smem:$0x3FB8] =	sst s0;
	s0 =	simm.s32 @!p1 $0x0  }
0x14: {  	s2 =	sld [smem:$0x3F9C];
	s0 =	simm.s32 @p1 $0x1  }
0x15: {  	[smem:$0x3FB9] =	sst s0;
	s0 =	simm.s32 @!p2 $0x0  }
0x16: {  	s3 =	sld [smem:$0x3FDB];
	s0 =	simm.s32 @p2 $0x1  }
0x17: {  	s4 =	simm.s32 $0x1BF5;
	[smem:$0x3FBB] =	sst s0  }
0x18: {  	s0 =	sld [smem:$0x3F9E];
	_ =	swait.ge [sflag:s4], $0x0  }
0x19: {  	s7 =	sld [smem:$0x3F9F]  }
0x1a: {  	s8 =	sadd.s32 $0xFFFFE003, lr  }
0x1b: {  	s9 =	sadd.s32 $0xFFFFFEF7, lr;
	s5 =	simm.s32 $0xFFFFFFFF;
	p2 =	slt.u32 s8, $0xFFFFF086  }
0x1c: {  	p1 =	slt.u32 s9, $0xF7A;
	s5 =	simm.s32 @!p2 $0x0  }
0x1d: {  	s5 =	simm.s32 @p1 $0x1;
	p0 =	seq.s32 s7, s2  }
0x1e: {  	s7 =	smul.u32 @!p0 $0xF7A, s2;
	p2 =	seq.s32 @!p0 s5, $0x0  }
0x1f: {  	s9 =	smul.u32 $0xF7A, s1;
	s8 =	simm.s32 @!p0 $0x1BF5;
	p2 =	por !p2, p0  }
0x20: {  	[sflag:s8] =	ssyncset.s32 @!p0 $0xFFFFF086;
	s6 =	sadd.s32 @!p0 s3, s7;
	s7 =	simm.s32 @!p0 $0x108  }
0x21: {  	s3 =	sadd.s32 s3, s9;
	s6 =	sadd.s32 @!p0 $0x88, s6;
	s7 =	simm.s32 @p2 $0x1082  }
0x22: {  	[simem:s7], [sflag:s8] =	dma.local @!p0 [hbm:s6], $0xF7A  }
0x23: {  	s9 =	sor.u32 $0xD0000000, s2;
	s6 =	simm.s32 $0x108;
	_ =	swait.ge @!p0 [sflag:s8], $0x0  }
0x24: {  	s3 =	sadd.s32 $0x88, s3;
	s6 =	simm.s32 @!p1 $0x1082;
	[sflag:s4] =	ssyncset.s32 $0xFFFFF086  }
0x25: {  	[simem:s6], [sflag:s4] =	dma.local [hbm:s3], $0xF7A  }
0x26: {  	[smem:$0x3F9F] =	sst s1;
	(tag) =	ssettag s2;
	_ =	strace s9  }
0x27: {  	s1 =	sld [smem:$0x3FAF]  }
0x28: {  	s2 =	sld [smem:$0x3FB0]  }
0x29: {  	s4 =	sld [smem:$0x3FB2]  }
0x2a: {  	p0 =	seq.s32 s5, $0x0;
	s5 =	sld [smem:$0x3FB3]  }
0x2b: {  	s6 =	sld [smem:$0x3FB4]  }
0x2c: {  	s7 =	sld [smem:$0x3FB5]  }
0x2d: {  	s3 =	simm.s32 $0x108;
	s8 =	sld [smem:$0x3FB6]  }
0x2e: {  	s3 =	simm.s32 @!p0 $0x1082;
	s9 =	sld [smem:$0x3FB7]  }
0x2f: {  	lr =	sadd.s32 s0, s3;
	s0 =	sld [smem:$0x3FAE]  }
0x30: {  	s3 =	sld [smem:$0x3FB1]  }
0x31: {  	[smem:$0x3FBA] =	sst s10  }
0x32: {  	s10 =	sld [smem:$0x3FB8];
	_ =	sdelay $0x3  }
0x33: {  	p0 =	seq.s32 s10, $0x1;
	s10 =	sld [smem:$0x3FBA];
	_ =	sdelay $0x3  }
0x34: {  	[smem:$0x3FBA] =	sst s10  }
0x35: {  	s10 =	sld [smem:$0x3FB9];
	_ =	sdelay $0x3  }
0x36: {  	p1 =	seq.s32 s10, $0x1;
	s10 =	sld [smem:$0x3FBA];
	_ =	sdelay $0x3  }
0x37: {  	[smem:$0x3FBA] =	sst s10  }
0x38: {  	s10 =	sld [smem:$0x3FBB]  }
0x39: {  	_ = 	snop;
	(pc) =	sbr.ind lr, $3  }
0x3a: {  	_ = 	snop  }
0x3b: {  	_ = 	snop  }
0x3c: {  	p2 =	seq.s32 s10, $0x1;
	s10 =	sld [smem:$0x3FBA]  }
0x3d: {  	_ =	shalt  }
0x3e: {  	_ =	shalt  }
0x3f: {  	_ =	shalt  }
0x40: {  	_ =	shalt  }
0x41: {  	_ =	shalt  }
0x42: {  	_ =	shalt  }
0x43: {  	_ =	shalt  }
0x44: {  	_ =	shalt  }
0x45: {  	_ =	shalt  }
0x46: {  	_ =	shalt  }
0x47: {  	_ =	shalt  }
0x48: {  	_ =	shalt  }
0x49: {  	_ =	shalt  }
0x4a: {  	_ =	shalt  }
0x4b: {  	_ =	shalt  }
0x4c: {  	_ =	shalt  }
0x4d: {  	_ =	shalt  }
0x4e: {  	_ =	shalt  }
0x4f: {  	_ =	shalt  }
0x50: {  	_ =	shalt  }
0x51: {  	_ =	shalt  }
0x52: {  	_ =	shalt  }
0x53: {  	_ =	shalt  }
0x54: {  	_ =	shalt  }
0x55: {  	_ =	shalt  }
0x56: {  	_ =	shalt  }
0x57: {  	_ =	shalt  }
0x58: {  	_ =	shalt  }
0x59: {  	_ =	shalt  }
0x5a: {  	_ =	shalt  }
0x5b: {  	_ =	shalt  }
0x5c: {  	_ =	shalt  }
0x5d: {  	_ =	shalt  }
0x5e: {  	_ =	shalt  }
0x5f: {  	_ =	shalt  }
0x60: {  	_ =	shalt  }
0x61: {  	_ =	shalt  }
0x62: {  	_ =	shalt  }
0x63: {  	_ =	shalt  }
0x64: {  	_ =	shalt  }
0x65: {  	_ =	shalt  }
0x66: {  	_ =	shalt  }
0x67: {  	_ =	shalt  }
0x68: {  	_ =	shalt  }
0x69: {  	_ =	shalt  }
0x6a: {  	_ =	shalt  }
0x6b: {  	_ =	shalt  }
0x6c: {  	_ =	shalt  }
0x6d: {  	_ =	shalt  }
0x6e: {  	_ =	shalt  }
0x6f: {  	_ =	shalt  }
0x70: {  	_ =	shalt  }
0x71: {  	_ =	shalt  }
0x72: {  	_ =	shalt  }
0x73: {  	_ =	shalt  }
0x74: {  	_ =	shalt  }
0x75: {  	_ =	shalt  }
0x76: {  	_ =	shalt  }
0x77: {  	_ =	shalt  }
0x78: {  	_ =	shalt  }
0x79: {  	_ =	shalt  }
0x7a: {  	_ =	shalt  }
0x7b: {  	_ =	shalt  }
0x7c: {  	_ =	shalt  }
0x7d: {  	_ =	shalt  }
0x7e: {  	_ =	shalt  }
0x7f: {  	_ =	shalt  }
0x80: {  	_ =	shalt  }
0x81: {  	_ =	shalt  }
0x82: {  	_ =	shalt  }
0x83: {  	_ =	shalt  }
0x84: {  	_ =	shalt  }
0x85: {  	_ =	shalt  }
0x86: {  	_ =	shalt  }
0x87: {  	_ =	shalt  }
.Lfunc_end0:
.L_simem_size_0:
called_computation_lowered:
.L_overlay_start_0:
0x88: {  	s2 =	sld [smem:$0x3FD9]  }
0x89: {  	s3 =	sld [smem:$0x3FFE];
	_ =	sdelay $0x1  }
0x8a: {  	s1 =	srdreg.scid  }
0x8b: {  	s0 =	sand.u32 $0x1, s1  }
0x8c: {  	s17 =	sshll.u32 s0, $0xA;
	s2 =	sadd.s32 s3, s2  }
0x8d: {  	s2 =	sadd.s32 s2, s17  }
0x8e: {  	[smem:$0x3FC6] =	sst s2  }
0x8f: {  	_ = 	snop  }
0x90: {  	s2 =	sld [smem:$0x3FD0];
	(tm) =	ssettm $0x1  }
0x91: {  	s18 =	sld [smem:$0x3FFB];
	_ =	sdelay $0x3  }
0x92: {  	_ =	strace s18  }
0x93: {  	s3 =	sld [smem:$0x3FFC];
	_ =	sdelay $0x3  }
0x94: {  	_ =	strace s3  }
0x95: {  	s3 =	sld [smem:$0x3FFD];
	_ =	sdelay $0x3  }
0x96: {  	_ =	strace s3  }
0x97: {  	_ =	strace $0x8FFFFFFF  }
0x98: {  	s19 =	sld [smem:$0x3FDB];
	_ =	sdelay $0x1  }
0x99: {  	s4 =	simm.s32 $_scs_section_size  }
0x9a: {  	s5 =	simm.s32 $_size__tile_overlayer_lowered;
	s6 =	simm.s32 $_tile_overlayer_lowered  }
0x9b: {  	s22 =	simm.s32 $0x1BFF;
	s21 =	sshll.u32 s6, $0x1;
	s3 =	sadd.s32 s4, s19  }
0x9c: {  	s7 =	simm.s32 $0x0;
	s20 =	sshll.u32 s5, $0x1;
	s5 =	sadd.s32 s21, s3  }
0x9d: {  	[timem:s7], [sflag:s22] =	dma.local [hbm:s5], s20  }
0x9e: {  	_ =	swait.ge [sflag:s22], s20  }
0x9f: {  	s4 =	ssub.s32 $0x0, s20;
	[sflag:s22] =	ssyncset.done $0x0  }
0xa0: {  	[sflag:s22] =	ssyncadd.s32 s4;
	_ =	sdelay $0x1  }
0xa1: {  	s23 =	simm.s32 $0x1B8B  }
0xa2: {  	_ =	swait.ge [sflag:s23], $0x1  }
0xa3: {  	[sflag:s23] =	ssyncset.done $0x0  }
0xa4: {  	s25 =	simm.s32 $0x1B8E;
	s24 =	sld [smem:$0x3FFE];
	[sflag:s23] =	ssyncadd.s32 $0xFFFFFFFF  }
0xa5: {  	s26 =	simm.s32 $execute0_lowered;
	[smem:$0x3FD2] =	sst s25  }
0xa6: {  	s5 =	sshll.u32 s26, $0x1;
	_ =	strace $0x80000046;
	[dreg:$0x1] =	wrdreg $0xFFFFFFFF  }
0xa7: {  	s28 =	simm.s32 $_size_execute0_lowered;
	s3 =	sadd.s32 s3, s5;
	[dreg:$0x0] =	wrdreg $0x0  }
0xa8: {  	s5 =	sshll.u32 s28, $0x1;
	[dreg:$0x2] =	wrdreg s3  }
0xa9: {  	[dreg:$0x3] =	wrdreg s5  }
0xaa: {  	[dreg:$0x4] =	wrdreg $0xC0  }
0xab: {  	_ =	task [dreg:s7], $0x5FFFF  }
0xac: {  	[dreg:$0x1] =	wrdreg $0xFFFFFFFF  }
0xad: {  	[dreg:$0x0] =	wrdreg $0x60  }
0xae: {  	[dreg:$0x2] =	wrdreg s24  }
0xaf: {  	[dreg:$0x3] =	wrdreg s2  }
0xb0: {  	[dreg:$0x4] =	wrdreg $0x9  }
0xb1: {  	_ =	task.clear_ibuf [dreg:s7], $0x5FFFF;
	_ =	strace $0x90000046  }
0xb2: {  	s29 =	simm.s32 $0x9;
	_ =	strace $0x80000048  }
0xb3: {  	_ =	swait.ge [sflag:s29], $0x1  }
0xb4: {  	[sflag:s29] =	ssyncadd.s32 $0xFFFFFFFF  }
0xb5: {  	_ =	strace $0x90000048  }
0xb6: {  	_ =	sfence  }
0xb7: {  	s30 =	sld [smem:$0x0];
	_ =	sdelay $0x2  }
0xb8: {  	s31 =	sshll.u32 s1, $0xD;
	s1 =	sshrl.u32 s1, $0x2  }
0xb9: {  	s3 =	sand.u32 $0x4000, s31;
	s1 =	sadd.s32 s1, s30  }
0xba: {  	s0 =	sor.u32 s3, s0;
	s1 =	sshll.u32 s1, $0x11  }
0xbb: {  	s0 =	sor.u32 s1, s0  }
0xbc: {  	s0 =	sadd.s32 $0x8F2B, s0  }
0xbd: {  	[sflag:s0] =	ssyncadd.remote.s32 $0x1  }
0xbe: {  	_ =	sfence.sel $0xFFFF  }
0xbf: {  	[dreg:$0x0] =	wrdreg $0xFFFFFFFF;
	(pc) =	sbr.abs _section_cstart, $3  }
0xc0: {  	[dreg:$0x1] =	wrdreg $0xFFFFFFFF  }
0xc1: {  	_ =	task.clear_ibuf [dreg:s7], $0x2FFFF;
	_ =	strace $0x9FFFFFFF  }
0xc2: {  	(tm) =	ssettm $0x7FFFFFFF  }
0xc3: {  	_ =	shalt  }
tec
execute0_lowered:
.L_overlay_start_1:
0x0: {  	(tag) =	ssettag $0x1  }
0x1: {  	s0 =	srdreg.scid  }
0x2: {  	s2 =	stileid.u32;
	s1 =	rddreg [dreg:$0x0]  }
0x3: {  	s31 =	rddreg [dreg:$0x1];
	s26 =	simm.s32 $0x0;
	s10 =	simm.s32 $0x1C00  }
0x4: {  	s12 =	simm.s32 $0x3800;
	s13 =	simm.s32 $0x7800;
	s14 =	simm.s32 $0x1  }
0x5: {  	s15 =	simm.s32 $0xB800;
	s0 =	sand.u32 $0x1, s0;
	s3 =	sshll.u32 s2, $0x1  }
0x6: {  	s17 =	simm.s32 $0x8000;
	s3 =	sor.u32 s0, s3;
	s0 =	ssub.s32 $0x2, s0  }
0x7: {  	s18 =	simm.s32 $0x2;
	s4 =	smul.u32 $0x380, s3;
	s28 =	sshrl.u32 s0, $0x1  }
0x8: {  	s19 =	simm.s32 $0x4;
	s20 =	simm.s32 $0xD800;
	s0 =	ssub.s32 s0, s28  }
0x9: {  	v0 =	vlaneseq.u32;
	[smem:$0x7FF] =	sst s26;
	s5 =	sadd.s32 s4, s1;
	s0 =	smax.u32 s0, $0x1  }
0xa: {  	v1 =	vmul.u32 $0x80, v0;
	_ =	strace $0x80000047;
	s29 =	sadd.s32 $0x7B7800, s5;
	[dreg:$0x5] =	wrdreg s0  }
0xb: {  	v2 =	vor.u32 $0x10, v0;
	v4 =	vor.u32 $0x20, v0;
	v6 =	vor.u32 $0x30, v0;
	s7 =	sshll.u32 s3, $0xA;
	s30 =	sadd.s32 $0x7B0800, s5;
	[dreg:$0x3] =	wrdreg s29  }
0xc: {  	v3 =	vor.u32 $0x800, v1;
	v5 =	vor.u32 $0x1000, v1;
	v7 =	vor.u32 $0x1800, v1;
	s4 =	sadd.s32 $0x800, s1;
	s1 =	simm.s32 $0x0;
	[dreg:$0x4] =	wrdreg s30  }
.LBB2_1:
0xd: {  	[dreg:$0x6] =	wrdreg s1  }
0xe: {  	s0 =	simm.s32 $0x0;
	s28 =	rddreg [dreg:$0x3];
	s2 =	simm.s32 $0x5  }
0xf: {  	[tilespmem:s0], [sflag:$0x5] =	stream.linear.gather [hbm4b:s28+s0], $0x1900, $0x38;
	[tilespmem:$0xF800] =	vst v63  }
0x10: {  	_ =	swait.ge [sflag:s2], $0x1900  }
0x11: {  	[sflag:s2] =	ssyncset.done $0x0  }
0x12: {  	s29 =	rddreg [dreg:$0x4];
	[sflag:s2] =	ssyncadd.s32 $0xFFFFE700  }
0x13: {  	[tilespmem:s10], [sflag:$0x5] =	stream.linear.gather [hbm4b:s29+s0], $0x1900, $0x38;
	[tilespmem:$0xF800] =	vst v63  }
0x14: {  	_ =	swait.ge [sflag:s2], $0x1900  }
0x15: {  	[sflag:s2] =	ssyncset.done $0x0  }
0x16: {  	s30 =	simm.s32 $0x80;
	s23 =	simm.s32 $0x0;
	[sflag:s2] =	ssyncadd.s32 $0xFFFFE700  }
0x17: {  	[tilespmem:s12], [sflag:$0x1] =	stream.indirect.gather [hbm4b:s4+s30], $0x80, s0, s30, $0xb8;
	[tilespmem:$0xF800] =	vst v63  }
.LBB2_2:
0x18: {  	s24 =	sshllo.u32 s23, $0x1  }
0x19: {  	s25 =	sshll.u32 s24, $0x7  }
0x1a: {  	s1 =	simm.s32 $0x80;
	s26 =	sshll.u32 s23, $0x1;
	s0 =	sand.u32 $0x3FFFFF80, s25  }
0x1b: {  	[tilespmem:s13], [sflag:$0x2] =	stream.indirect.gather [hbm4b:s4+s1], $0x80, s0, s1, $0xb8;
	[tilespmem:$0xF800] =	vst v63  }
0x1c: {  	s0 =	sshll.u32 s26, $0x7  }
0x1d: {  	s26 =	simm.s32 $0x1;
	_ =	swait.ge [sflag:s14], $0x4000;
	v8 =	vmov s0  }
0x1e: {  	p0 =	seq.s32 s23, $0x0;
	s0 =	simm.s32 $0x7;
	[sflag:s14] =	ssyncset.done $0x0;
	v9 =	vor.u32 s26, v8  }
0x1f: {  	s3 =	simm.s32 @!p0 $0x3;
	s1 =	simm.s32 $0x6;
	v13 =	vor.u32 s0, v8;
	[sflag:s14] =	ssyncadd.s32 $0xFFFFC000  }
0x20: {  	s6 =	simm.s32 $0x4;
	v15 =	vor.u32 s1, v8;
	_ =	swait.ge @!p0 [sflag:s3], $0x2000  }
0x21: {  	s28 =	simm.s32 $0x2;
	v14 =	vor.u32 s6, v8;
	[sflag:s3] =	ssyncset.done @!p0 $0x0  }
0x22: {  	s29 =	simm.s32 $0x3;
	v11 =	vor.u32 s28, v8;
	[sflag:s3] =	ssyncadd.s32 @!p0 $0xFFFFE000  }
0x23: {  	s16 =	smov.u32 s31;
	s31 =	simm.s32 $0x5;
	v12 =	vor.u32 s29, v8;
	v20 =	vld.idx.msk [tilespmem:v9+s10+$0x0], $0xffff  }
0x24: {  	v16 =	vmov s31;
	v17 =	vor.u32 s31, v8;
	v13 =	vld.idx.msk [tilespmem:v13+s10+$0x0], $0xffff  }
0x25: {  	s30 =	simm.s32 $0x0;
	v21 =	vmov s29;
	v23 =	vmov s28;
	v24 =	vmov s6;
	v15 =	vld.idx.msk [tilespmem:v15+s10+$0x0], $0xffff  }
0x26: {  	v62 =	vor.u32 s30, v1;
	v26 =	vmov s30;
	v30 =	vor.u32 s6, v1;
	v27 =	vld.idx.msk [tilespmem:v14+s10+$0x0], $0xffff  }
0x27: {  	v50 =	vor.u32 s29, v1;
	v25 =	vshll.u32 v23, $0x7;
	v29 =	vshll.u32 v16, $0x7;
	v31 =	vld.idx.msk [tilespmem:v11+s10+$0x0], $0xffff  }
0x28: {  	v24 =	vshll.u32 v24, $0x7;
	v16 =	vor.u32 s6, v3;
	v21 =	vshll.u32 v21, $0x7;
	v12 =	vld.idx.msk [tilespmem:v12+s10+$0x0], $0xffff  }
0x29: {  	v26 =	vshll.u32 v26, $0x7;
	v18 =	vmov s1;
	v19 =	vmov s26;
	v17 =	vld.idx.msk [tilespmem:v17+s10+$0x0], $0xffff  }
0x2a: {  	v10 =	vor.u32 s26, v1;
	v22 =	vmov s0;
	v23 =	vor.u32 s30, v8  }
0x2b: {  	v19 =	vshll.u32 v19, $0x7;
	v18 =	vshll.u32 v18, $0x7;
	v63 =	vor.u32 s0, v1  }
0x2c: {  	v22 =	vshll.u32 v22, $0x7;
	v14 =	vor.u32 s1, v1;
	v20 =	vshll.u32 v20, $0x6  }
0x2d: {  	v33 =	vshll.u32 v13, $0x6;
	v35 =	vshll.u32 v15, $0x6;
	v31 =	vshll.u32 v31, $0x6  }
0x2e: {  	v38 =	vshll.u32 v27, $0x6;
	v42 =	vshll.u32 v12, $0x6;
	v47 =	vshll.u32 v17, $0x6  }
0x2f: {  	v28 =	vor.u32 v4, v20;
	v11 =	vand.u32 $0xFFFFFF80, v20;
	v34 =	vor.u32 v0, v33  }
0x30: {  	v13 =	vand.u32 $0xFFFFFF80, v33;
	v36 =	vor.u32 v2, v33;
	v37 =	vor.u32 v2, v20  }
0x31: {  	v15 =	vld.idx.msk [tilespmem:v23+s10+$0x0], $0xffff;
	v23 =	vor.u32 v0, v31;
	v27 =	vor.u32 v0, v38;
	v40 =	vand.u32 $0xFFFFFF80, v38  }
0x32: {  	v41 =	vor.u32 v4, v31;
	v44 =	vand.u32 $0xFFFFFF80, v35;
	v55 =	vor.u32 v6, v33  }
0x33: {  	v56 =	vor.u32 v0, v42;
	v59 =	vor.u32 v0, v47;
	v61 =	vor.u32 v2, v38  }
0x34: {  	v51 =	vor.u32 v0, v35;
	v33 =	vor.u32 v4, v33;
	v53 =	vand.u32 $0xFFFFFF80, v47  }
0x35: {  	v54 =	vor.u32 v2, v47;
	v32 =	vand.u32 $0x6F, v28;
	v28 =	vor.u32 v0, v20  }
0x36: {  	v11 =	vadd.s32 v19, v11;
	v19 =	vor.u32 s28, v1;
	v39 =	vand.u32 $0x4F, v23  }
0x37: {  	v23 =	vadd.s32 v22, v13;
	v43 =	vand.u32 $0x4F, v27;
	v13 =	vor.u32 v2, v31  }
0x38: {  	v12 =	vadd.s32 v24, v40;
	v29 =	vadd.s32 v29, v53;
	v51 =	vand.u32 $0x4F, v51  }
0x39: {  	v33 =	vand.u32 $0x6F, v33;
	v53 =	vor.u32 s28, v3;
	v46 =	vand.u32 $0x4F, v28  }
0x3a: {  	v27 =	vand.u32 $0x5F, v13;
	v28 =	vand.u32 $0x5F, v36;
	v60 =	vor.u32 v43, v12  }
0x3b: {  	v36 =	vor.u32 v28, v23;
	v45 =	vshll.u32 v15, $0x6;
	v15 =	vand.u32 $0x5F, v37  }
0x3c: {  	v28 =	vor.u32 v6, v31;
	v37 =	vand.u32 $0x4F, v59;
	v24 =	vor.u32 v15, v11  }
0x3d: {  	v15 =	vand.u32 $0xFFFFFF80, v42;
	v22 =	vor.u32 v0, v45;
	v13 =	vand.u32 $0xFFFFFF80, v45  }
0x3e: {  	v15 =	vadd.s32 v21, v15;
	v21 =	vand.u32 $0xFFFFFF80, v31;
	v31 =	vand.u32 $0x4F, v34  }
0x3f: {  	v57 =	vand.u32 $0x4F, v22;
	v13 =	vadd.s32 v26, v13;
	v31 =	vor.u32 v31, v23  }
0x40: {  	v26 =	vor.u32 v2, v45;
	v34 =	vor.u32 v4, v42;
	v22 =	vadd.s32 v25, v21  }
0x41: {  	v21 =	vor.u32 v2, v42;
	v25 =	vor.u32 v4, v45;
	v39 =	vor.u32 v39, v22  }
0x42: {  	v58 =	vand.u32 $0x5F, v26;
	v17 =	vand.u32 $0x6F, v25;
	v25 =	vand.u32 $0x4F, v56  }
0x43: {  	v26 =	vor.u32 v6, v47;
	v49 =	vor.u32 v57, v13;
	v25 =	vor.u32 v25, v15  }
0x44: {  	v47 =	vor.u32 v4, v47;
	v48 =	vor.u32 v27, v22;
	v27 =	vor.u32 v58, v13;
	v52 =	vld.idx.msk [tilespmem:v31+s12+$0x0], $0xffff  }
0x45: {  	v21 =	vand.u32 $0x5F, v21;
	v58 =	vor.u32 v33, v23;
	v31 =	vand.u32 $0x5F, v61  }
0x46: {  	v33 =	vor.u32 v6, v38;
	v39 =	vld.idx.msk [tilespmem:v39+s12+$0x0], $0xffff;
	v56 =	vor.u32 v31, v12;
	v31 =	vand.u32 $0x5F, v54  }
0x47: {  	v54 =	vor.u32 v37, v29;
	v37 =	vor.u32 v31, v29;
	v31 =	vand.u32 $0x6F, v47;
	v47 =	vld.idx.msk [tilespmem:v60+s12+$0x0], $0xffff  }
0x48: {  	v40 =	vor.u32 v21, v15;
	v43 =	vld.idx.msk [tilespmem:v25+s12+$0x0], $0xffff;
	v60 =	vor.u32 v4, v38;
	v25 =	vadd.s32 v18, v44  }
0x49: {  	v41 =	vand.u32 $0x6F, v41;
	v18 =	vor.u32 v2, v35;
	v21 =	vor.u32 v31, v29;
	[tilespmem:v63+s15+$0x0] =	vst.idx.msk $0xffff, v52  }
0x4a: {  	v31 =	vor.u32 v32, v11;
	v32 =	vor.u32 v6, v42;
	v63 =	vor.u32 v51, v25;
	v57 =	vld.idx.msk [tilespmem:v36+s12+$0x0], $0xffff  }
0x4b: {  	v42 =	vor.u32 s0, v3;
	v18 =	vand.u32 $0x5F, v18;
	[tilespmem:v19+s15+$0x0] =	vst.idx.msk $0xffff, v39;
	v19 =	vor.u32 v46, v11;
	v39 =	vld.idx.msk [tilespmem:v49+s12+$0x0], $0xffff  }
0x4c: {  	v17 =	vor.u32 v17, v13;
	v61 =	vand.u32 $0x6F, v60;
	v44 =	vor.u32 v18, v25;
	v49 =	vld.idx.msk [tilespmem:v54+s12+$0x0], $0xffff  }
0x4d: {  	v38 =	vor.u32 s26, v3;
	v18 =	vor.u32 s31, v7;
	v46 =	vor.u32 v61, v12;
	v48 =	vld.idx.msk [tilespmem:v48+s12+$0x0], $0xffff;
	[tilespmem:v30+s15+$0x0] =	vst.idx.msk $0xffff, v47  }
0x4e: {  	v36 =	vor.u32 v6, v20;
	v20 =	vor.u32 s6, v7;
	v54 =	vor.u32 s31, v1;
	v51 =	vld.idx.msk [tilespmem:v56+s12+$0x0], $0xffff  }
0x4f: {  	v30 =	vor.u32 v6, v45;
	v45 =	vor.u32 v4, v35;
	[tilespmem:v50+s15+$0x0] =	vst.idx.msk $0xffff, v43;
	v52 =	vld.idx.msk [tilespmem:v63+s12+$0x0], $0xffff  }
0x50: {  	v9 =	vlaneseq.u32;
	v35 =	vor.u32 v6, v35;
	v43 =	vor.u32 v41, v22;
	v47 =	vld.idx.msk [tilespmem:v19+s12+$0x0], $0xffff;
	[tilespmem:v42+s15+$0x0] =	vst.idx.msk $0xffff, v57  }
0x51: {  	s5 =	simm.s32 $0x8;
	v41 =	vor.u32 s6, v5;
	v19 =	vor.u32 s1, v7;
	v42 =	vand.u32 $0x7F, v55;
	v50 =	vld.idx.msk [tilespmem:v58+s12+$0x0], $0xffff  }
.LBB2_3:
0x52: {  	[tilespmem:$0x1FFF0] =	vst v18;
	s22 =	sadd.s32 $0x2, s5;
	v55 =	vor.u32 s0, v5;
	v23 =	vor.u32 v42, v23  }
0x53: {  	s21 =	sadd.s32 $0x3, s5;
	s11 =	sadd.s32 $0x5, s5;
	[tilespmem:v62+s15+$0x0] =	vst.idx.msk $0xffff, v39;
	v63 =	vor.u32 s31, v5;
	v0 =	vor.u32 s30, v5;
	v56 =	vor.u32 s22, v8  }
0x54: {  	s8 =	sadd.s32 $0x1, s5;
	s3 =	smov.u32 s5;
	s9 =	sadd.s32 $0x6, s5;
	v26 =	vand.u32 $0x7F, v26;
	v57 =	vor.u32 s21, v8;
	v58 =	vmov s11;
	v27 =	vld.idx.msk [tilespmem:v27+s12+$0x0], $0xffff;
	[tilespmem:v53+s15+$0x0] =	vst.idx.msk $0xffff, v48  }
0x55: {  	v18 =	vmovc v17;
	v42 =	vor.u32 s8, v8;
	s2 =	sadd.s32 $0x7, s3;
	v59 =	vmov s9;
	v17 =	vor.u32 s8, v1;
	v48 =	vld.idx.msk [tilespmem:v40+s12+$0x0], $0xffff;
	[tilespmem:v16+s15+$0x0] =	vst.idx.msk $0xffff, v51  }
0x56: {  	v32 =	vand.u32 $0x7F, v32;
	v62 =	vor.u32 s3, v1;
	v60 =	vor.u32 s2, v8;
	[tilespmem:v14+s15+$0x0] =	vst.idx.msk $0xffff, v52;
	v46 =	vld.idx.msk [tilespmem:v46+s12+$0x0], $0xffff  }
0x57: {  	v61 =	vmov s2;
	v39 =	vshll.u32 v59, $0x7;
	[tilespmem:v10+s15+$0x0] =	vst.idx.msk $0xffff, v47;
	v10 =	vand.u32 $0x7F, v28;
	v44 =	vld.idx.msk [tilespmem:v44+s12+$0x0], $0xffff  }
0x58: {  	v53 =	vor.u32 s1, v3;
	[tilespmem:v54+s15+$0x0] =	vst.idx.msk $0xffff, v49;
	v28 =	vand.u32 $0x6F, v45;
	v24 =	vld.idx.msk [tilespmem:v24+s12+$0x0], $0xffff;
	v47 =	vor.u32 v10, v22  }
0x59: {  	s6 =	sadd.s32 $0x4, s5;
	v22 =	vand.u32 $0x6F, v34;
	[tilespmem:v55+s15+$0x0] =	vst.idx.msk $0xffff, v50;
	v34 =	vld.idx.msk [tilespmem:v43+s12+$0x0], $0xffff;
	v45 =	vor.u32 v28, v25;
	v50 =	vor.u32 s29, v3  }
0x5a: {  	v16 =	vor.u32 s6, v8;
	v37 =	vld.idx.msk [tilespmem:v37+s12+$0x0], $0xffff;
	v10 =	vor.u32 s28, v5;
	v43 =	vor.u32 v22, v15  }
0x5b: {  	v40 =	vor.u32 s11, v8;
	v51 =	vor.u32 s9, v8;
	v49 =	vmov s8;
	v23 =	vld.idx.msk [tilespmem:v23+s12+$0x0], $0xffff  }
0x5c: {  	v61 =	vshll.u32 v61, $0x7;
	v54 =	vmov s21;
	v14 =	vmov s22;
	v60 =	vld.idx.msk [tilespmem:v60+s10+$0x0], $0xffff;
	[tilespmem:v41+s15+$0x0] =	vst.idx.msk $0xffff, v46  }
0x5d: {  	v52 =	vmov s6;
	v55 =	vor.u32 v26, v29;
	v41 =	vld.idx.msk [tilespmem:v42+s10+$0x0], $0xffff;
	v42 =	vor.u32 s31, v3;
	[tilespmem:v53+s15+$0x0] =	vst.idx.msk $0xffff, v44  }
0x5e: {  	v28 =	vor.u32 s28, v7;
	v44 =	vor.u32 s0, v7;
	v53 =	vshll.u32 v14, $0x7;
	[tilespmem:v50+s15+$0x0] =	vst.idx.msk $0xffff, v48;
	v14 =	vld.idx.msk [tilespmem:v45+s12+$0x0], $0xffff  }
0x5f: {  	v26 =	vor.u32 s30, v7;
	v29 =	vshll.u32 v58, $0x7;
	v22 =	vor.u32 s26, v7;
	[tilespmem:v10+s15+$0x0] =	vst.idx.msk $0xffff, v34;
	v43 =	vld.idx.msk [tilespmem:v43+s12+$0x0], $0xffff  }
0x60: {  	v15 =	vor.u32 v32, v15;
	v46 =	vor.u32 s29, v7;
	v50 =	vor.u32 s30, v3;
	v47 =	vld.idx.msk [tilespmem:v47+s12+$0x0], $0xffff  }
0x61: {  	[tilespmem:v38+s15+$0x0] =	vst.idx.msk $0xffff, v24;
	v24 =	vor.u32 s29, v5;
	v48 =	vor.u32 s1, v5;
	s30 =	smov.u32 s3;
	v34 =	vshll.u32 v52, $0x7;
	v58 =	vld.idx.msk [tilespmem:v56+s10+$0x0], $0xffff  }
0x62: {  	v38 =	vor.u32 s6, v1;
	v52 =	vshll.u32 v54, $0x7;
	v32 =	vmov s30;
	[tilespmem:v42+s15+$0x0] =	vst.idx.msk $0xffff, v37;
	v42 =	vld.idx.msk [tilespmem:v31+s12+$0x0], $0xffff  }
0x63: {  	v45 =	vor.u32 s3, v8;
	v32 =	vshll.u32 v32, $0x7;
	v37 =	vshll.u32 v49, $0x7;
	[tilespmem:v44+s15+$0x0] =	vst.idx.msk $0xffff, v23;
	v23 =	vld.idx.msk [tilespmem:v51+s10+$0x0], $0xffff  }
0x64: {  	v49 =	vor.u32 s26, v5;
	v31 =	vand.u32 $0x7F, v36;
	v36 =	vand.u32 $0x7F, v35;
	v44 =	vld.idx.msk [tilespmem:v16+s10+$0x0], $0xffff  }
0x65: {  	s1 =	smov.u32 s9;
	v35 =	vshll.u32 v41, $0x6;
	v16 =	vor.u32 s6, v3;
	[tilespmem:v50+s15+$0x0] =	vst.idx.msk $0xffff, v27;
	v27 =	vand.u32 $0x7F, v33;
	v50 =	vld.idx.msk [tilespmem:v57+s10+$0x0], $0xffff  }
0x66: {  	v59 =	vor.u32 v31, v11;
	[tilespmem:v48+s15+$0x0] =	vst.idx.msk $0xffff, v14;
	v11 =	vor.u32 v4, v35;
	v14 =	vor.u32 s1, v1  }
0x67: {  	[tilespmem:v24+s15+$0x0] =	vst.idx.msk $0xffff, v43;
	v24 =	vor.u32 v36, v25;
	v25 =	vand.u32 $0x7F, v30;
	v12 =	vor.u32 v27, v12  }
0x68: {  	v27 =	vor.u32 v9, v35;
	v30 =	vshll.u32 v60, $0x6;
	v48 =	vshll.u32 v58, $0x6  }
0x69: {  	v10 =	vmovc v17;
	v31 =	vand.u32 $0x6F, v11;
	v11 =	vand.u32 $0xFFFFFF80, v35;
	v13 =	vor.u32 v25, v13  }
0x6a: {  	s28 =	smov.u32 s22;
	v36 =	vld.idx.msk [tilespmem:v45+s10+$0x0], $0xffff;
	v25 =	vor.u32 v9, v30;
	v45 =	vor.u32 v2, v30;
	v43 =	vor.u32 v4, v48  }
0x6b: {  	v17 =	vld.idx.msk [tilespmem:v18+s12+$0x0], $0xffff;
	[tilespmem:v28+s15+$0x0] =	vst.idx.msk $0xffff, v47;
	v28 =	vand.u32 $0xFFFFFF80, v48;
	v11 =	vadd.s32 v37, v11;
	v37 =	vor.u32 s28, v1  }
0x6c: {  	v21 =	vld.idx.msk [tilespmem:v21+s12+$0x0], $0xffff;
	v25 =	vand.u32 $0x4F, v25;
	v31 =	vor.u32 v31, v11;
	v41 =	vshll.u32 v23, $0x6  }
0x6d: {  	v15 =	vld.idx.msk [tilespmem:v15+s12+$0x0], $0xffff;
	[tilespmem:v49+s15+$0x0] =	vst.idx.msk $0xffff, v42;
	v23 =	vand.u32 $0xFFFFFF80, v30;
	v49 =	vor.u32 v2, v35;
	v33 =	vshll.u32 v44, $0x6  }
0x6e: {  	v50 =	vshll.u32 v50, $0x6;
	v42 =	vor.u32 v6, v30;
	v30 =	vor.u32 v4, v30;
	v44 =	vld.idx.msk [tilespmem:v59+s12+$0x0], $0xffff  }
0x6f: {  	v59 =	vor.u32 v9, v48;
	v51 =	vor.u32 v9, v33;
	v54 =	vld.idx.msk [tilespmem:v24+s12+$0x0], $0xffff;
	v24 =	vand.u32 $0xFFFFFF80, v33  }
0x70: {  	v18 =	vld [tilespmem:$0x1FFF0];
	v23 =	vadd.s32 v61, v23;
	[tilespmem:v0+s15+$0x0] =	vst.idx.msk $0xffff, v17;
	v17 =	vor.u32 v2, v48;
	v57 =	vand.u32 $0xFFFFFF80, v41  }
0x71: {  	s0 =	smov.u32 s2;
	v0 =	vld.idx.msk [tilespmem:v12+s12+$0x0], $0xffff;
	[tilespmem:v63+s15+$0x0] =	vst.idx.msk $0xffff, v21;
	v36 =	vshll.u32 v36, $0x6;
	v21 =	vand.u32 $0x5F, v49;
	v61 =	vor.u32 v9, v41  }
0x72: {  	v63 =	vor.u32 s0, v1;
	v42 =	vand.u32 $0x7F, v42;
	v60 =	vand.u32 $0x4F, v59;
	v13 =	vld.idx.msk [tilespmem:v13+s12+$0x0], $0xffff  }
0x73: {  	v51 =	vand.u32 $0x4F, v51;
	v12 =	vadd.s32 v34, v24;
	[tilespmem:v46+s15+$0x0] =	vst.idx.msk $0xffff, v15;
	v49 =	vld.idx.msk [tilespmem:v55+s12+$0x0], $0xffff;
	v46 =	vand.u32 $0x4F, v27  }
0x74: {  	v24 =	vor.u32 v21, v11;
	v15 =	vand.u32 $0xFFFFFF80, v50;
	v21 =	vld.idx.msk [tilespmem:v40+s10+$0x0], $0xffff;
	v25 =	vor.u32 v25, v23  }
0x75: {  	v17 =	vand.u32 $0x5F, v17;
	v34 =	vor.u32 v4, v50;
	v15 =	vadd.s32 v52, v15;
	[tilespmem:v22+s15+$0x0] =	vst.idx.msk $0xffff, v44  }
0x76: {  	s29 =	smov.u32 s21;
	v27 =	vand.u32 $0xFFFFFF80, v36;
	v52 =	vor.u32 v9, v50;
	v22 =	vor.u32 v9, v36;
	[tilespmem:v20+s15+$0x0] =	vst.idx.msk $0xffff, v0  }
0x77: {  	v20 =	vor.u32 v2, v50;
	[tilespmem:v19+s15+$0x0] =	vst.idx.msk $0xffff, v54;
	v19 =	vor.u32 s29, v1;
	v0 =	vand.u32 $0x4F, v22  }
0x78: {  	v22 =	vadd.s32 v53, v28;
	[tilespmem:v26+s15+$0x0] =	vst.idx.msk $0xffff, v13;
	v26 =	vor.u32 v4, v36;
	v28 =	vand.u32 $0x5F, v45  }
0x79: {  	v13 =	vadd.s32 v32, v27;
	[tilespmem:v18+s15+$0x0] =	vst.idx.msk $0xffff, v49;
	v18 =	vor.u32 v2, v36;
	v21 =	vshll.u32 v21, $0x6  }
0x7a: {  	v53 =	vor.u32 v60, v22;
	v47 =	vor.u32 v17, v22;
	v17 =	vand.u32 $0x4F, v52  }
0x7b: {  	v20 =	vand.u32 $0x5F, v20;
	v45 =	vor.u32 v28, v23;
	v58 =	vor.u32 v17, v15  }
0x7c: {  	v25 =	vld.idx.msk [tilespmem:v25+s12+$0x0], $0xffff;
	v28 =	vor.u32 v6, v48;
	v18 =	vand.u32 $0x5F, v18;
	v55 =	vand.u32 $0x6F, v26  }
0x7d: {  	v59 =	vor.u32 v9, v21;
	v27 =	vor.u32 v18, v13;
	v18 =	vor.u32 v51, v12  }
0x7e: {  	v26 =	vor.u32 v6, v21;
	v0 =	vor.u32 v0, v13;
	v60 =	vor.u32 v2, v33  }
0x7f: {  	v40 =	vor.u32 v20, v15;
	v20 =	vand.u32 $0x4F, v61;
	v61 =	vor.u32 v4, v33;
	v56 =	vld.idx.msk [tilespmem:v53+s12+$0x0], $0xffff  }
0x80: {  	v33 =	vor.u32 v6, v33;
	v17 =	vor.u32 v55, v13;
	v48 =	vand.u32 $0x5F, v60;
	v44 =	vld.idx.msk [tilespmem:v58+s12+$0x0], $0xffff  }
0x81: {  	v32 =	vand.u32 $0x4F, v59;
	v59 =	vor.u32 v2, v21;
	v54 =	vor.u32 v48, v12;
	[tilespmem:v63+s15+$0x0] =	vst.idx.msk $0xffff, v25  }
0x82: {  	v25 =	vadd.s32 v39, v57;
	v63 =	vor.u32 v2, v41;
	v58 =	vand.u32 $0xFFFFFF80, v21;
	v18 =	vld.idx.msk [tilespmem:v18+s12+$0x0], $0xffff  }
0x83: {  	v57 =	vor.u32 v20, v25;
	v21 =	vor.u32 v4, v21;
	v29 =	vadd.s32 v29, v58  }
0x84: {  	v60 =	vand.u32 $0x5F, v59;
	v52 =	vor.u32 v32, v29;
	v32 =	vor.u32 v6, v50;
	[tilespmem:v37+s15+$0x0] =	vst.idx.msk $0xffff, v56  }
0x85: {  	v55 =	vld.idx.msk [tilespmem:v45+s12+$0x0], $0xffff;
	v50 =	vor.u32 s0, v3;
	v37 =	vor.u32 v60, v29;
	[tilespmem:v19+s15+$0x0] =	vst.idx.msk $0xffff, v44;
	v19 =	vand.u32 $0x6F, v61  }
0x86: {  	v39 =	vld.idx.msk [tilespmem:v0+s12+$0x0], $0xffff;
	v60 =	vor.u32 v46, v11;
	v46 =	vor.u32 v19, v12;
	v19 =	vand.u32 $0x6F, v30  }
0x87: {  	p1 =	slt.u32 s5, $0x78;
	v53 =	vor.u32 s28, v3;
	v21 =	vand.u32 $0x6F, v21;
	v48 =	vld.idx.msk [tilespmem:v47+s12+$0x0], $0xffff;
	[tilespmem:v38+s15+$0x0] =	vst.idx.msk $0xffff, v18;
	v0 =	vor.u32 v19, v23  }
.Ltmp0:
0x88: {  	s31 =	smov.u32 s11;
	s26 =	smov.u32 s8;
	v45 =	vor.u32 v4, v41;
	v20 =	vor.u32 s6, v7;
	v21 =	vor.u32 v21, v29;
	v51 =	vld.idx.msk [tilespmem:v54+s12+$0x0], $0xffff;
	(pc) =	sbr.rel @p1 .LBB2_3-.Ltmp0, $4  }
0x89: {  	v61 =	vand.u32 $0x5F, v63;
	v18 =	vor.u32 s31, v7;
	v38 =	vor.u32 s26, v3;
	v49 =	vld.idx.msk [tilespmem:v52+s12+$0x0], $0xffff  }
0x8a: {  	v44 =	vor.u32 v61, v25;
	v30 =	vor.u32 v6, v36;
	v36 =	vor.u32 v6, v35;
	v52 =	vld.idx.msk [tilespmem:v57+s12+$0x0], $0xffff  }
0x8b: {  	v63 =	vand.u32 $0x6F, v43;
	v35 =	vor.u32 v6, v41;
	v54 =	vor.u32 s31, v1;
	[tilespmem:v50+s15+$0x0] =	vst.idx.msk $0xffff, v55;
	v47 =	vld.idx.msk [tilespmem:v60+s12+$0x0], $0xffff  }
0x8c: {  	s5 =	sadd.s32 $0x8, s5;
	v43 =	vor.u32 v63, v22;
	v41 =	vor.u32 s6, v5;
	v19 =	vor.u32 s1, v7;
	v50 =	vld.idx.msk [tilespmem:v0+s12+$0x0], $0xffff  }
0x8d: {  	_ =	sdelay $0x3  }
0x8e: {  	[tilespmem:v53+s15+$0x0] =	vst.idx.msk $0xffff, v48  }
0x8f: {  	v0 =	vor.u32 s0, v5;
	[tilespmem:v16+s15+$0x0] =	vst.idx.msk $0xffff, v51  }
0x90: {  	v53 =	vld.idx.msk [tilespmem:v40+s12+$0x0], $0xffff;
	v55 =	vor.u32 s29, v3;
	[tilespmem:v54+s15+$0x0] =	vst.idx.msk $0xffff, v49  }
0x91: {  	v8 =	vld.idx.msk [tilespmem:v46+s12+$0x0], $0xffff;
	v54 =	vand.u32 $0x6F, v34;
	[tilespmem:v14+s15+$0x0] =	vst.idx.msk $0xffff, v52  }
0x92: {  	v57 =	vor.u32 s1, v3;
	v59 =	vand.u32 $0x6F, v45;
	[tilespmem:v10+s15+$0x0] =	vst.idx.msk $0xffff, v47;
	v10 =	vor.u32 v54, v15;
	v58 =	vld.idx.msk [tilespmem:v44+s12+$0x0], $0xffff  }
0x93: {  	v60 =	vor.u32 s31, v3;
	[tilespmem:v62+s15+$0x0] =	vst.idx.msk $0xffff, v39;
	v9 =	vor.u32 v59, v25;
	v37 =	vld.idx.msk [tilespmem:v37+s12+$0x0], $0xffff  }
0x94: {  	v56 =	vld.idx.msk [tilespmem:v24+s12+$0x0], $0xffff;
	[tilespmem:v0+s15+$0x0] =	vst.idx.msk $0xffff, v50  }
0x95: {  	v63 =	vor.u32 s28, v5;
	v62 =	vld.idx.msk [tilespmem:v43+s12+$0x0], $0xffff;
	[tilespmem:v55+s15+$0x0] =	vst.idx.msk $0xffff, v53  }
0x96: {  	v61 =	vor.u32 s30, v3;
	v28 =	vand.u32 $0x7F, v28;
	v0 =	vor.u32 v42, v23;
	[tilespmem:v41+s15+$0x0] =	vst.idx.msk $0xffff, v8;
	v8 =	vld.idx.msk [tilespmem:v27+s12+$0x0], $0xffff  }
0x97: {  	v43 =	vor.u32 s29, v5;
	v22 =	vor.u32 v28, v22;
	v10 =	vld.idx.msk [tilespmem:v10+s12+$0x0], $0xffff;
	[tilespmem:v57+s15+$0x0] =	vst.idx.msk $0xffff, v58  }
0x98: {  	v44 =	vand.u32 $0x7F, v32;
	v50 =	vor.u32 s1, v5;
	[tilespmem:v60+s15+$0x0] =	vst.idx.msk $0xffff, v37;
	v9 =	vld.idx.msk [tilespmem:v9+s12+$0x0], $0xffff  }
0x99: {  	v54 =	vand.u32 $0x7F, v35;
	v46 =	vor.u32 v44, v15;
	v53 =	vor.u32 s31, v5;
	[tilespmem:v38+s15+$0x0] =	vst.idx.msk $0xffff, v56;
	v56 =	vld.idx.msk [tilespmem:v21+s12+$0x0], $0xffff  }
0x9a: {  	v47 =	vor.u32 s26, v5;
	v59 =	vor.u32 v54, v25;
	[tilespmem:v63+s15+$0x0] =	vst.idx.msk $0xffff, v62;
	v57 =	vand.u32 $0x7F, v26;
	v45 =	vld.idx.msk [tilespmem:v31+s12+$0x0], $0xffff  }
0x9b: {  	v48 =	vand.u32 $0x7F, v36;
	v49 =	vor.u32 s0, v7;
	v14 =	vor.u32 v57, v29;
	v0 =	vld.idx.msk [tilespmem:v0+s12+$0x0], $0xffff;
	[tilespmem:v61+s15+$0x0] =	vst.idx.msk $0xffff, v8  }
0x9c: {  	v11 =	vor.u32 v48, v11;
	v22 =	vld.idx.msk [tilespmem:v22+s12+$0x0], $0xffff;
	v8 =	vand.u32 $0x7F, v33;
	v61 =	vor.u32 s28, v7;
	[tilespmem:v43+s15+$0x0] =	vst.idx.msk $0xffff, v10  }
0x9d: {  	v51 =	vor.u32 s30, v5;
	v52 =	vand.u32 $0x7F, v30;
	v17 =	vld.idx.msk [tilespmem:v17+s12+$0x0], $0xffff;
	v8 =	vor.u32 v8, v12;
	[tilespmem:v50+s15+$0x0] =	vst.idx.msk $0xffff, v9  }
0x9e: {  	v55 =	vor.u32 v52, v13;
	v58 =	vor.u32 s29, v7;
	v15 =	vld.idx.msk [tilespmem:v46+s12+$0x0], $0xffff;
	[tilespmem:v53+s15+$0x0] =	vst.idx.msk $0xffff, v56  }
0x9f: {  	[tilespmem:v47+s15+$0x0] =	vst.idx.msk $0xffff, v45;
	v63 =	vld.idx.msk [tilespmem:v59+s12+$0x0], $0xffff  }
0xa0: {  	[tilespmem:v49+s15+$0x0] =	vst.idx.msk $0xffff, v0;
	v13 =	vld.idx.msk [tilespmem:v14+s12+$0x0], $0xffff  }
0xa1: {  	v60 =	vor.u32 s26, v7;
	v0 =	vld.idx.msk [tilespmem:v11+s12+$0x0], $0xffff;
	[tilespmem:v61+s15+$0x0] =	vst.idx.msk $0xffff, v22  }
0xa2: {  	[tilespmem:v51+s15+$0x0] =	vst.idx.msk $0xffff, v17;
	v8 =	vld.idx.msk [tilespmem:v8+s12+$0x0], $0xffff  }
0xa3: {  	v62 =	vor.u32 s30, v7;
	v10 =	vld.idx.msk [tilespmem:v55+s12+$0x0], $0xffff;
	[tilespmem:v58+s15+$0x0] =	vst.idx.msk $0xffff, v15  }
0xa4: {  	p1 =	sne.s32 s23, $0x18;
	[tilespmem:v19+s15+$0x0] =	vst.idx.msk $0xffff, v63  }
.Ltmp1:
0xa5: {  	s30 =	sshll.u32 s23, $0x13;
	[tilespmem:v18+s15+$0x0] =	vst.idx.msk $0xffff, v13;
	(pc) =	sbr.rel @p1 .LBB2_6-.Ltmp1, $4  }
0xa6: {  	s0 =	sor.u32 s7, s30;
	[tilespmem:v60+s15+$0x0] =	vst.idx.msk $0xffff, v0  }
0xa7: {  	s0 =	sshrl.u32 s0, $0x3;
	[tilespmem:v20+s15+$0x0] =	vst.idx.msk $0xffff, v8  }
0xa8: {  	s31 =	smov.u32 s16;
	s0 =	sadd.s32 s16, s0;
	s16 =	simm.s32 $0x400;
	[tilespmem:v62+s15+$0x0] =	vst.idx.msk $0xffff, v10  }
0xa9: {  	[hbm4b:s0+s16] =	stream.strided.scatter [tilespmem:s15], [sflag:$0x3], $0x2000, s17, s16, $0x38;
	[tilespmem:$0xF800] =	vst v63  }
.Ltmp2:
0xaa: {  	(pc) =	sbr.rel .LBB2_7-.Ltmp2, $4  }
0xab: {  	_ = 	snop  }
0xac: {  	_ =	swait.ge [sflag:s18], $0x4000  }
0xad: {  	[sflag:s18] =	ssyncset.done $0x0  }
0xae: {  	[sflag:s18] =	ssyncadd.s32 $0xFFFFC000  }
.LBB2_6:
0xaf: {  	s0 =	sshll.u32 s23, $0x8  }
0xb0: {  	s0 =	sand.u32 $0x3FFFFF00, s0  }
.Ltmp3:
0xb1: {  	s1 =	simm.s32 $0x80;
	s0 =	sadd.s32 $0x100, s0;
	(pc) =	sbr.rel @p0 .LBB2_8-.Ltmp3, $4  }
0xb2: {  	[tilespmem:s12], [sflag:$0x1] =	stream.indirect.gather [hbm4b:s4+s1], $0x80, s0, s1, $0xb8;
	[tilespmem:$0xF800] =	vst v63  }
0xb3: {  	_ =	swait.ge [sflag:s18], $0x4000  }
0xb4: {  	[sflag:s18] =	ssyncset.done $0x0  }
0xb5: {  	[sflag:s18] =	ssyncadd.s32 $0xFFFFC000  }
.LBB2_7:
0xb6: {  	_ =	swait.ge [sflag:s19], $0x2000  }
0xb7: {  	[sflag:s19] =	ssyncset.done $0x0  }
0xb8: {  	[sflag:s19] =	ssyncadd.s32 $0xFFFFE000  }
.LBB2_8:
0xb9: {  	v8 =	vmov s25;
	s26 =	simm.s32 $0x1  }
0xba: {  	s1 =	simm.s32 $0x7;
	v0 =	vor.u32 s26, v8  }
0xbb: {  	s0 =	simm.s32 $0x6;
	v13 =	vor.u32 s1, v8  }
0xbc: {  	s6 =	simm.s32 $0x4;
	v15 =	vor.u32 s0, v8  }
0xbd: {  	s25 =	simm.s32 $0x2;
	v14 =	vor.u32 s6, v8  }
0xbe: {  	s28 =	simm.s32 $0x3;
	s30 =	simm.s32 $0x5;
	v11 =	vor.u32 s25, v8  }
0xbf: {  	v9 =	vlaneseq.u32;
	v12 =	vor.u32 s28, v8;
	v17 =	vor.u32 s30, v8;
	v0 =	vld.idx.msk [tilespmem:v0+s10+$0x0], $0xffff  }
0xc0: {  	v16 =	vmov s30;
	v18 =	vmov s0;
	v19 =	vmov s26;
	v13 =	vld.idx.msk [tilespmem:v13+s10+$0x0], $0xffff  }
0xc1: {  	v20 =	vmov s28;
	v21 =	vmov s1;
	v23 =	vmov s6;
	v15 =	vld.idx.msk [tilespmem:v15+s10+$0x0], $0xffff  }
0xc2: {  	s29 =	simm.s32 $0x0;
	v22 =	vmov s25;
	v10 =	vor.u32 s26, v1;
	v27 =	vshll.u32 v23, $0x7;
	v23 =	vld.idx.msk [tilespmem:v14+s10+$0x0], $0xffff  }
0xc3: {  	v61 =	vor.u32 s29, v1;
	v24 =	vor.u32 s29, v8;
	v26 =	vmov s29;
	v29 =	vld.idx.msk [tilespmem:v11+s10+$0x0], $0xffff  }
0xc4: {  	v30 =	vor.u32 s6, v1;
	v50 =	vor.u32 s28, v1;
	v53 =	vor.u32 s1, v1;
	v12 =	vld.idx.msk [tilespmem:v12+s10+$0x0], $0xffff  }
0xc5: {  	v22 =	vshll.u32 v22, $0x7;
	v21 =	vshll.u32 v21, $0x7;
	v25 =	vshll.u32 v16, $0x7;
	v17 =	vld.idx.msk [tilespmem:v17+s10+$0x0], $0xffff  }
0xc6: {  	v19 =	vshll.u32 v19, $0x7;
	v18 =	vshll.u32 v18, $0x7;
	v16 =	vor.u32 s6, v3  }
0xc7: {  	v20 =	vshll.u32 v20, $0x7;
	v26 =	vshll.u32 v26, $0x7;
	v14 =	vor.u32 s0, v1  }
0xc8: {  	v0 =	vshll.u32 v0, $0x6;
	v32 =	vshll.u32 v13, $0x6;
	v35 =	vshll.u32 v15, $0x6  }
0xc9: {  	v29 =	vshll.u32 v29, $0x6;
	v38 =	vshll.u32 v23, $0x6;
	v42 =	vshll.u32 v12, $0x6  }
0xca: {  	v47 =	vshll.u32 v17, $0x6;
	v28 =	vor.u32 v4, v0;
	v11 =	vand.u32 $0xFFFFFF80, v0  }
0xcb: {  	v33 =	vor.u32 v9, v32;
	v13 =	vand.u32 $0xFFFFFF80, v32;
	v34 =	vor.u32 v2, v32  }
0xcc: {  	v15 =	vld.idx.msk [tilespmem:v24+s10+$0x0], $0xffff;
	v24 =	vor.u32 v2, v0;
	v23 =	vor.u32 v9, v29;
	v36 =	vor.u32 v9, v38  }
0xcd: {  	v39 =	vand.u32 $0xFFFFFF80, v38;
	v41 =	vor.u32 v4, v29;
	v55 =	vor.u32 v6, v32  }
0xce: {  	v44 =	vor.u32 v9, v42;
	v59 =	vor.u32 v9, v47;
	v60 =	vor.u32 v2, v38  }
0xcf: {  	v48 =	vor.u32 v9, v35;
	v51 =	vor.u32 v4, v32;
	v62 =	vand.u32 $0xFFFFFF80, v47  }
0xd0: {  	v63 =	vor.u32 v2, v47;
	v32 =	vor.u32 v6, v42;
	v31 =	vand.u32 $0x6F, v28  }
0xd1: {  	v28 =	vor.u32 v9, v0;
	v11 =	vadd.s32 v19, v11;
	v19 =	vor.u32 s25, v1  }
0xd2: {  	v37 =	vand.u32 $0x4F, v23;
	v23 =	vadd.s32 v21, v13;
	v21 =	vand.u32 $0x4F, v36  }
0xd3: {  	v13 =	vor.u32 v2, v29;
	v36 =	vand.u32 $0xFFFFFF80, v35;
	v12 =	vadd.s32 v27, v39  }
0xd4: {  	v39 =	vand.u32 $0x4F, v28;
	v40 =	vand.u32 $0x5F, v13;
	v28 =	vand.u32 $0x5F, v34  }
0xd5: {  	v34 =	vor.u32 v4, v42;
	v21 =	vor.u32 v21, v12;
	v31 =	vor.u32 v31, v11  }
0xd6: {  	v46 =	vor.u32 v28, v23;
	v43 =	vshll.u32 v15, $0x6;
	v15 =	vand.u32 $0x5F, v24  }
0xd7: {  	v28 =	vor.u32 v6, v29;
	v24 =	vor.u32 v15, v11;
	v15 =	vand.u32 $0xFFFFFF80, v42  }
0xd8: {  	v27 =	vor.u32 v9, v43;
	v13 =	vand.u32 $0xFFFFFF80, v43;
	v45 =	vor.u32 v4, v43  }
0xd9: {  	v15 =	vadd.s32 v20, v15;
	v20 =	vand.u32 $0xFFFFFF80, v29;
	v29 =	vand.u32 $0x4F, v33  }
0xda: {  	v27 =	vand.u32 $0x4F, v27;
	v22 =	vadd.s32 v22, v20;
	v29 =	vor.u32 v29, v23  }
0xdb: {  	v13 =	vadd.s32 v26, v13;
	v26 =	vor.u32 v2, v43;
	v37 =	vor.u32 v37, v22  }
0xdc: {  	v17 =	vand.u32 $0x6F, v45;
	v33 =	vand.u32 $0x4F, v59;
	v20 =	vor.u32 v2, v42  }
0xdd: {  	v58 =	vand.u32 $0x5F, v26;
	v26 =	vand.u32 $0x4F, v44;
	v49 =	vor.u32 v27, v13  }
0xde: {  	v17 =	vor.u32 v17, v13;
	v42 =	vor.u32 s1, v3;
	v44 =	vor.u32 v26, v15  }
0xdf: {  	v45 =	vor.u32 v40, v22;
	v26 =	vor.u32 v6, v47;
	v27 =	vor.u32 v58, v13;
	v52 =	vld.idx.msk [tilespmem:v29+s13+$0x0], $0xffff  }
0xe0: {  	v20 =	vand.u32 $0x5F, v20;
	v47 =	vor.u32 v4, v47;
	v29 =	vand.u32 $0x5F, v60;
	v54 =	vld.idx.msk [tilespmem:v37+s13+$0x0], $0xffff  }
0xe1: {  	v40 =	vor.u32 v20, v15;
	v20 =	vand.u32 $0x4F, v48;
	v60 =	vld.idx.msk [tilespmem:v21+s13+$0x0], $0xffff;
	v56 =	vor.u32 v29, v12  }
0xe2: {  	v29 =	vadd.s32 v25, v62;
	v25 =	vand.u32 $0x5F, v63;
	v62 =	vor.u32 v4, v38  }
0xe3: {  	v58 =	vld.idx.msk [tilespmem:v44+s13+$0x0], $0xffff;
	v57 =	vor.u32 v33, v29;
	v37 =	vor.u32 v25, v29;
	v25 =	vand.u32 $0x6F, v47  }
0xe4: {  	v63 =	vand.u32 $0x6F, v62;
	v33 =	vor.u32 v6, v38;
	v21 =	vor.u32 v25, v29;
	[tilespmem:v53+s20+$0x0] =	vst.idx.msk $0xffff, v52  }
0xe5: {  	v25 =	vadd.s32 v18, v36;
	[tilespmem:v19+s20+$0x0] =	vst.idx.msk $0xffff, v54;
	v52 =	vld.idx.msk [tilespmem:v46+s13+$0x0], $0xffff;
	v19 =	vor.u32 v39, v11  }
0xe6: {  	v38 =	vor.u32 s26, v3;
	v59 =	vor.u32 v20, v25;
	v20 =	vand.u32 $0x6F, v51;
	[tilespmem:v30+s20+$0x0] =	vst.idx.msk $0xffff, v60;
	v39 =	vld.idx.msk [tilespmem:v49+s13+$0x0], $0xffff  }
0xe7: {  	v18 =	vor.u32 v2, v35;
	v36 =	vor.u32 v6, v0;
	v60 =	vor.u32 v20, v23;
	v51 =	vld.idx.msk [tilespmem:v56+s13+$0x0], $0xffff  }
0xe8: {  	v0 =	vand.u32 $0x6F, v41;
	v18 =	vand.u32 $0x5F, v18;
	v53 =	vor.u32 s25, v3;
	v48 =	vld.idx.msk [tilespmem:v45+s13+$0x0], $0xffff  }
0xe9: {  	v41 =	vor.u32 s6, v5;
	v44 =	vor.u32 v18, v25;
	v30 =	vor.u32 v6, v43;
	v49 =	vld.idx.msk [tilespmem:v57+s13+$0x0], $0xffff  }
0xea: {  	v20 =	vor.u32 s6, v7;
	v43 =	vor.u32 v0, v22;
	v46 =	vor.u32 v63, v12;
	v47 =	vld.idx.msk [tilespmem:v19+s13+$0x0], $0xffff  }
0xeb: {  	v18 =	vor.u32 s30, v7;
	v54 =	vor.u32 s30, v1;
	v45 =	vor.u32 v4, v35;
	[tilespmem:v42+s20+$0x0] =	vst.idx.msk $0xffff, v52;
	v52 =	vld.idx.msk [tilespmem:v59+s13+$0x0], $0xffff  }
0xec: {  	s5 =	simm.s32 $0x8;
	[tilespmem:v50+s20+$0x0] =	vst.idx.msk $0xffff, v58;
	v35 =	vor.u32 v6, v35;
	v19 =	vor.u32 s0, v7;
	v42 =	vand.u32 $0x7F, v55;
	v50 =	vld.idx.msk [tilespmem:v60+s13+$0x0], $0xffff  }
.LBB2_9:
0xed: {  	s8 =	sadd.s32 $0x1, s5;
	[tilespmem:v53+s20+$0x0] =	vst.idx.msk $0xffff, v48;
	v48 =	vor.u32 s0, v3  }
0xee: {  	s22 =	sadd.s32 $0x2, s5;
	s21 =	sadd.s32 $0x3, s5;
	v0 =	vld.idx.msk [tilespmem:v40+s13+$0x0], $0xffff;
	v53 =	vor.u32 s1, v5;
	v23 =	vor.u32 v42, v23;
	s3 =	smov.u32 s5;
	v62 =	vor.u32 s30, v5  }
0xef: {  	s6 =	sadd.s32 $0x4, s5;
	s2 =	sadd.s32 $0x5, s5;
	s9 =	sadd.s32 $0x6, s5;
	v42 =	vor.u32 s8, v8;
	v55 =	vor.u32 s22, v8;
	v56 =	vor.u32 s21, v8;
	[tilespmem:v16+s20+$0x0] =	vst.idx.msk $0xffff, v51  }
0xf0: {  	p0 =	slt.u32 s5, $0x78;
	s5 =	sadd.s32 $0x8, s5;
	v16 =	vor.u32 s6, v8;
	v40 =	vor.u32 s2, v8;
	v51 =	vor.u32 s9, v8;
	s11 =	sadd.s32 $0x7, s3;
	v46 =	vld.idx.msk [tilespmem:v46+s13+$0x0], $0xffff  }
0xf1: {  	v57 =	vmov s2;
	v58 =	vmov s9;
	v59 =	vor.u32 s11, v8;
	[tilespmem:v54+s20+$0x0] =	vst.idx.msk $0xffff, v49  }
0xf2: {  	v60 =	vmov s11;
	v49 =	vmov s8;
	v54 =	vmov s21;
	[tilespmem:v14+s20+$0x0] =	vst.idx.msk $0xffff, v52  }
0xf3: {  	v14 =	vmov s22;
	v52 =	vmov s6;
	[tilespmem:v10+s20+$0x0] =	vst.idx.msk $0xffff, v47;
	v10 =	vand.u32 $0x7F, v28;
	v44 =	vld.idx.msk [tilespmem:v44+s13+$0x0], $0xffff  }
0xf4: {  	v28 =	vand.u32 $0x6F, v45;
	v24 =	vld.idx.msk [tilespmem:v24+s13+$0x0], $0xffff;
	v47 =	vor.u32 v10, v22;
	v22 =	vand.u32 $0x6F, v34;
	[tilespmem:v53+s20+$0x0] =	vst.idx.msk $0xffff, v50  }
0xf5: {  	v9 =	vor.u32 s8, v1;
	v45 =	vor.u32 v28, v25;
	v34 =	vld.idx.msk [tilespmem:v43+s13+$0x0], $0xffff;
	v43 =	vor.u32 v22, v15  }
0xf6: {  	v26 =	vand.u32 $0x7F, v26;
	v50 =	vor.u32 s28, v3;
	v22 =	vor.u32 s26, v7;
	[tilespmem:v41+s20+$0x0] =	vst.idx.msk $0xffff, v46;
	v37 =	vld.idx.msk [tilespmem:v37+s13+$0x0], $0xffff  }
0xf7: {  	v53 =	vor.u32 v26, v29;
	v46 =	vor.u32 s28, v7;
	v41 =	vld.idx.msk [tilespmem:v42+s10+$0x0], $0xffff;
	v42 =	vor.u32 s30, v3  }
0xf8: {  	v63 =	vor.u32 s29, v5;
	v10 =	vor.u32 s25, v5;
	v28 =	vor.u32 s25, v7;
	s25 =	smov.u32 s22;
	s30 =	smov.u32 s2;
	[tilespmem:v61+s20+$0x0] =	vst.idx.msk $0xffff, v39;
	v23 =	vld.idx.msk [tilespmem:v23+s13+$0x0], $0xffff  }
0xf9: {  	v32 =	vand.u32 $0x7F, v32;
	v26 =	vor.u32 s29, v7;
	v59 =	vld.idx.msk [tilespmem:v59+s10+$0x0], $0xffff;
	[tilespmem:v48+s20+$0x0] =	vst.idx.msk $0xffff, v44;
	v44 =	vor.u32 s1, v7;
	s1 =	smov.u32 s11  }
0xfa: {  	v61 =	vor.u32 s3, v1;
	v48 =	vshll.u32 v14, $0x7;
	[tilespmem:v38+s20+$0x0] =	vst.idx.msk $0xffff, v24;
	v24 =	vor.u32 s28, v5;
	v14 =	vld.idx.msk [tilespmem:v45+s13+$0x0], $0xffff;
	s28 =	smov.u32 s21  }
0xfb: {  	v60 =	vshll.u32 v60, $0x7;
	v45 =	vor.u32 s3, v8;
	v27 =	vld.idx.msk [tilespmem:v27+s13+$0x0], $0xffff;
	[tilespmem:v50+s20+$0x0] =	vst.idx.msk $0xffff, v0;
	v0 =	vor.u32 s0, v5;
	s0 =	smov.u32 s9  }
0xfc: {  	v29 =	vshll.u32 v57, $0x7;
	v15 =	vor.u32 v32, v15;
	v50 =	vor.u32 s29, v3;
	s29 =	smov.u32 s3;
	v43 =	vld.idx.msk [tilespmem:v43+s13+$0x0], $0xffff;
	[tilespmem:v42+s20+$0x0] =	vst.idx.msk $0xffff, v37  }
0xfd: {  	v30 =	vand.u32 $0x7F, v30;
	v39 =	vshll.u32 v58, $0x7;
	v37 =	vshll.u32 v49, $0x7;
	v42 =	vld.idx.msk [tilespmem:v31+s13+$0x0], $0xffff;
	[tilespmem:v10+s20+$0x0] =	vst.idx.msk $0xffff, v34;
	v10 =	vmovc v9  }
0xfe: {  	v32 =	vmov s29;
	v49 =	vor.u32 s26, v5;
	s26 =	smov.u32 s8;
	v34 =	vshll.u32 v52, $0x7;
	v47 =	vld.idx.msk [tilespmem:v47+s13+$0x0], $0xffff;
	[tilespmem:v44+s20+$0x0] =	vst.idx.msk $0xffff, v23  }
0xff: {  	v38 =	vor.u32 s6, v1;
	v31 =	vand.u32 $0x7F, v36;
	v36 =	vand.u32 $0x7F, v35;
	v23 =	vld.idx.msk [tilespmem:v51+s10+$0x0], $0xffff  }
0x100: {  	v35 =	vshll.u32 v41, $0x6;
	v51 =	vor.u32 v31, v11;
	v44 =	vld.idx.msk [tilespmem:v16+s10+$0x0], $0xffff;
	v16 =	vor.u32 s6, v3;
	[tilespmem:v0+s20+$0x0] =	vst.idx.msk $0xffff, v14  }
0x101: {  	v11 =	vand.u32 $0x7F, v33;
	v0 =	vor.u32 v4, v35;
	v14 =	vor.u32 s0, v1;
	v52 =	vld.idx.msk [tilespmem:v55+s10+$0x0], $0xffff;
	[tilespmem:v50+s20+$0x0] =	vst.idx.msk $0xffff, v27  }
0x102: {  	v31 =	vand.u32 $0x6F, v0;
	v27 =	vshll.u32 v54, $0x7;
	v0 =	vld.idx.msk [tilespmem:v56+s10+$0x0], $0xffff;
	[tilespmem:v24+s20+$0x0] =	vst.idx.msk $0xffff, v43;
	v24 =	vor.u32 v36, v25  }
0x103: {  	v9 =	vlaneseq.u32;
	v12 =	vor.u32 v11, v12;
	v25 =	vand.u32 $0xFFFFFF80, v35;
	v17 =	vld.idx.msk [tilespmem:v17+s13+$0x0], $0xffff;
	[tilespmem:v49+s20+$0x0] =	vst.idx.msk $0xffff, v42  }
0x104: {  	v13 =	vor.u32 v30, v13;
	v36 =	vor.u32 v9, v35;
	v49 =	vshll.u32 v59, $0x6;
	v15 =	vld.idx.msk [tilespmem:v15+s13+$0x0], $0xffff  }
0x105: {  	v41 =	vshll.u32 v23, $0x6;
	v30 =	vor.u32 v9, v49;
	v23 =	vand.u32 $0xFFFFFF80, v49;
	v21 =	vld.idx.msk [tilespmem:v21+s13+$0x0], $0xffff  }
0x106: {  	v11 =	vadd.s32 v37, v25;
	v25 =	vor.u32 s25, v1;
	v37 =	vor.u32 v2, v49;
	v45 =	vld.idx.msk [tilespmem:v45+s10+$0x0], $0xffff  }
0x107: {  	v50 =	vor.u32 v2, v35;
	v33 =	vshll.u32 v44, $0x6;
	v52 =	vshll.u32 v52, $0x6;
	v44 =	vld.idx.msk [tilespmem:v51+s13+$0x0], $0xffff  }
0x108: {  	v32 =	vshll.u32 v32, $0x7;
	v42 =	vor.u32 v9, v52;
	v51 =	vor.u32 v9, v33;
	v54 =	vld.idx.msk [tilespmem:v24+s13+$0x0], $0xffff  }
0x109: {  	v23 =	vadd.s32 v60, v23;
	v55 =	vand.u32 $0x4F, v42;
	v24 =	vand.u32 $0xFFFFFF80, v33;
	[tilespmem:v63+s20+$0x0] =	vst.idx.msk $0xffff, v17;
	v17 =	vld.idx.msk [tilespmem:v12+s13+$0x0], $0xffff  }
0x10a: {  	v43 =	vor.u32 v4, v52;
	v0 =	vshll.u32 v0, $0x6;
	v51 =	vand.u32 $0x4F, v51;
	v13 =	vld.idx.msk [tilespmem:v13+s13+$0x0], $0xffff  }
0x10b: {  	v57 =	vand.u32 $0xFFFFFF80, v41;
	v56 =	vor.u32 v2, v52;
	v42 =	vor.u32 v6, v49;
	[tilespmem:v62+s20+$0x0] =	vst.idx.msk $0xffff, v21  }
0x10c: {  	v12 =	vadd.s32 v34, v24;
	v45 =	vshll.u32 v45, $0x6;
	v21 =	vand.u32 $0x5F, v50;
	[tilespmem:v46+s20+$0x0] =	vst.idx.msk $0xffff, v15;
	v34 =	vld.idx.msk [tilespmem:v53+s13+$0x0], $0xffff  }
0x10d: {  	v36 =	vand.u32 $0x4F, v36;
	v24 =	vor.u32 v21, v11;
	v15 =	vand.u32 $0xFFFFFF80, v0;
	v21 =	vld.idx.msk [tilespmem:v40+s10+$0x0], $0xffff;
	[tilespmem:v22+s20+$0x0] =	vst.idx.msk $0xffff, v44  }
0x10e: {  	v22 =	vor.u32 v9, v45;
	v40 =	vand.u32 $0x5F, v56;
	v15 =	vadd.s32 v27, v15;
	[tilespmem:v28+s20+$0x0] =	vst.idx.msk $0xffff, v47  }
0x10f: {  	v27 =	vand.u32 $0xFFFFFF80, v45;
	v44 =	vor.u32 v9, v0;
	v28 =	vand.u32 $0xFFFFFF80, v52;
	[tilespmem:v20+s20+$0x0] =	vst.idx.msk $0xffff, v17  }
0x110: {  	v17 =	vand.u32 $0x4F, v22;
	v22 =	vadd.s32 v48, v28;
	v20 =	vor.u32 v2, v0;
	[tilespmem:v26+s20+$0x0] =	vst.idx.msk $0xffff, v13  }
0x111: {  	v28 =	vand.u32 $0x5F, v37;
	v26 =	vor.u32 v4, v45;
	v46 =	vor.u32 v55, v22;
	[tilespmem:v19+s20+$0x0] =	vst.idx.msk $0xffff, v54  }
0x112: {  	v13 =	vadd.s32 v32, v27;
	v47 =	vor.u32 v28, v23;
	v19 =	vor.u32 s28, v1;
	[tilespmem:v18+s20+$0x0] =	vst.idx.msk $0xffff, v34  }
0x113: {  	v28 =	vor.u32 v6, v52;
	v27 =	vand.u32 $0x4F, v30;
	v18 =	vor.u32 v2, v45  }
0x114: {  	v30 =	vor.u32 v27, v23;
	v21 =	vshll.u32 v21, $0x6;
	v18 =	vand.u32 $0x5F, v18  }
0x115: {  	v48 =	vor.u32 v40, v22;
	v32 =	vand.u32 $0x6F, v26;
	v26 =	vand.u32 $0x4F, v44  }
0x116: {  	v40 =	vor.u32 v26, v15;
	v44 =	vor.u32 v9, v21;
	v26 =	vor.u32 v6, v21;
	v37 =	vld.idx.msk [tilespmem:v46+s13+$0x0], $0xffff  }
0x117: {  	v50 =	vor.u32 v17, v13;
	v17 =	vor.u32 v32, v13;
	v27 =	vor.u32 v18, v13  }
0x118: {  	v34 =	vor.u32 v4, v0;
	v18 =	vor.u32 v51, v12;
	v32 =	vand.u32 $0x4F, v44  }
0x119: {  	v49 =	vor.u32 v4, v49;
	v44 =	vor.u32 v2, v33;
	v46 =	vor.u32 v9, v41;
	v30 =	vld.idx.msk [tilespmem:v30+s13+$0x0], $0xffff  }
0x11a: {  	v20 =	vand.u32 $0x5F, v20;
	v51 =	vor.u32 s1, v1;
	v44 =	vand.u32 $0x5F, v44  }
0x11b: {  	v53 =	vor.u32 v2, v21;
	v52 =	vld.idx.msk [tilespmem:v40+s13+$0x0], $0xffff;
	v40 =	vand.u32 $0xFFFFFF80, v21;
	v21 =	vor.u32 v4, v21  }
0x11c: {  	v54 =	vor.u32 v44, v12;
	[tilespmem:v25+s20+$0x0] =	vst.idx.msk $0xffff, v37;
	v29 =	vadd.s32 v29, v40;
	v25 =	vand.u32 $0x5F, v53  }
0x11d: {  	v21 =	vand.u32 $0x6F, v21;
	v18 =	vld.idx.msk [tilespmem:v18+s13+$0x0], $0xffff;
	v55 =	vor.u32 v32, v29;
	v37 =	vor.u32 v25, v29  }
0x11e: {  	v40 =	vor.u32 v20, v15;
	v20 =	vand.u32 $0x4F, v46;
	v21 =	vor.u32 v21, v29  }
0x11f: {  	v31 =	vor.u32 v31, v11;
	v32 =	vor.u32 v6, v0;
	v0 =	vor.u32 s1, v3;
	[tilespmem:v51+s20+$0x0] =	vst.idx.msk $0xffff, v30  }
0x120: {  	v25 =	vadd.s32 v39, v57;
	v39 =	vor.u32 v2, v41;
	v30 =	vor.u32 v4, v33;
	v56 =	vld.idx.msk [tilespmem:v47+s13+$0x0], $0xffff  }
0x121: {  	v47 =	vor.u32 v36, v11;
	v48 =	vld.idx.msk [tilespmem:v48+s13+$0x0], $0xffff;
	[tilespmem:v19+s20+$0x0] =	vst.idx.msk $0xffff, v52;
	v19 =	vand.u32 $0x6F, v30;
	v30 =	vand.u32 $0x5F, v39  }
0x122: {  	v52 =	vor.u32 v20, v25;
	v46 =	vor.u32 v19, v12;
	v19 =	vand.u32 $0x6F, v49  }
0x123: {  	v44 =	vor.u32 v30, v25;
	v39 =	vld.idx.msk [tilespmem:v50+s13+$0x0], $0xffff;
	[tilespmem:v38+s20+$0x0] =	vst.idx.msk $0xffff, v18;
	v50 =	vor.u32 v19, v23  }
.Ltmp4:
0x124: {  	v53 =	vor.u32 s25, v3;
	v30 =	vor.u32 v6, v45;
	v45 =	vor.u32 v4, v41;
	v51 =	vld.idx.msk [tilespmem:v54+s13+$0x0], $0xffff;
	(pc) =	sbr.rel @p0 .LBB2_9-.Ltmp4, $4  }
0x125: {  	v33 =	vor.u32 v6, v33;
	v36 =	vor.u32 v6, v35;
	v35 =	vor.u32 v6, v41;
	v49 =	vld.idx.msk [tilespmem:v55+s13+$0x0], $0xffff  }
0x126: {  	v20 =	vor.u32 s6, v7;
	v18 =	vor.u32 s30, v7;
	v19 =	vor.u32 s0, v7;
	v47 =	vld.idx.msk [tilespmem:v47+s13+$0x0], $0xffff  }
0x127: {  	v41 =	vand.u32 $0x6F, v43;
	v38 =	vor.u32 s26, v3;
	v54 =	vor.u32 s30, v1;
	v52 =	vld.idx.msk [tilespmem:v52+s13+$0x0], $0xffff;
	[tilespmem:v0+s20+$0x0] =	vst.idx.msk $0xffff, v56  }
0x128: {  	v42 =	vand.u32 $0x7F, v42;
	v43 =	vor.u32 v41, v22;
	v41 =	vor.u32 s6, v5;
	v50 =	vld.idx.msk [tilespmem:v50+s13+$0x0], $0xffff  }
0x129: {  	_ =	sdelay $0x3  }
0x12a: {  	[tilespmem:v53+s20+$0x0] =	vst.idx.msk $0xffff, v48  }
0x12b: {  	v0 =	vor.u32 s1, v5;
	[tilespmem:v16+s20+$0x0] =	vst.idx.msk $0xffff, v51  }
0x12c: {  	v53 =	vld.idx.msk [tilespmem:v40+s13+$0x0], $0xffff;
	v55 =	vor.u32 s28, v3;
	[tilespmem:v61+s20+$0x0] =	vst.idx.msk $0xffff, v39  }
0x12d: {  	v8 =	vld.idx.msk [tilespmem:v46+s13+$0x0], $0xffff;
	[tilespmem:v54+s20+$0x0] =	vst.idx.msk $0xffff, v49;
	v54 =	vand.u32 $0x6F, v34  }
0x12e: {  	v60 =	vor.u32 s30, v3;
	[tilespmem:v10+s20+$0x0] =	vst.idx.msk $0xffff, v47;
	v10 =	vor.u32 v54, v15;
	v37 =	vld.idx.msk [tilespmem:v37+s13+$0x0], $0xffff  }
0x12f: {  	[tilespmem:v14+s20+$0x0] =	vst.idx.msk $0xffff, v52;
	v56 =	vld.idx.msk [tilespmem:v24+s13+$0x0], $0xffff  }
0x130: {  	v63 =	vor.u32 s25, v5;
	v62 =	vld.idx.msk [tilespmem:v43+s13+$0x0], $0xffff;
	[tilespmem:v0+s20+$0x0] =	vst.idx.msk $0xffff, v50  }
0x131: {  	v57 =	vor.u32 s0, v3;
	v59 =	vand.u32 $0x6F, v45;
	v58 =	vld.idx.msk [tilespmem:v44+s13+$0x0], $0xffff;
	v0 =	vor.u32 v42, v23;
	[tilespmem:v55+s20+$0x0] =	vst.idx.msk $0xffff, v53  }
0x132: {  	v61 =	vor.u32 s29, v3;
	v28 =	vand.u32 $0x7F, v28;
	v9 =	vor.u32 v59, v25;
	[tilespmem:v41+s20+$0x0] =	vst.idx.msk $0xffff, v8;
	v8 =	vld.idx.msk [tilespmem:v27+s13+$0x0], $0xffff  }
0x133: {  	v43 =	vor.u32 s28, v5;
	v22 =	vor.u32 v28, v22;
	v10 =	vld.idx.msk [tilespmem:v10+s13+$0x0], $0xffff;
	[tilespmem:v60+s20+$0x0] =	vst.idx.msk $0xffff, v37  }
0x134: {  	v44 =	vand.u32 $0x7F, v32;
	v53 =	vor.u32 s30, v5;
	[tilespmem:v38+s20+$0x0] =	vst.idx.msk $0xffff, v56;
	v56 =	vld.idx.msk [tilespmem:v21+s13+$0x0], $0xffff  }
0x135: {  	v48 =	vand.u32 $0x7F, v36;
	v47 =	vor.u32 s26, v5;
	v46 =	vor.u32 v44, v15;
	[tilespmem:v63+s20+$0x0] =	vst.idx.msk $0xffff, v62;
	v45 =	vld.idx.msk [tilespmem:v31+s13+$0x0], $0xffff  }
0x136: {  	v49 =	vor.u32 s1, v7;
	v11 =	vor.u32 v48, v11;
	[tilespmem:v57+s20+$0x0] =	vst.idx.msk $0xffff, v58;
	v57 =	vand.u32 $0x7F, v26;
	v0 =	vld.idx.msk [tilespmem:v0+s13+$0x0], $0xffff  }
0x137: {  	v54 =	vand.u32 $0x7F, v35;
	v50 =	vor.u32 s0, v5;
	v9 =	vld.idx.msk [tilespmem:v9+s13+$0x0], $0xffff;
	v14 =	vor.u32 v57, v29;
	[tilespmem:v61+s20+$0x0] =	vst.idx.msk $0xffff, v8  }
0x138: {  	v59 =	vor.u32 v54, v25;
	v22 =	vld.idx.msk [tilespmem:v22+s13+$0x0], $0xffff;
	v8 =	vand.u32 $0x7F, v33;
	v61 =	vor.u32 s25, v7;
	[tilespmem:v43+s20+$0x0] =	vst.idx.msk $0xffff, v10  }
0x139: {  	v51 =	vor.u32 s29, v5;
	v52 =	vand.u32 $0x7F, v30;
	v17 =	vld.idx.msk [tilespmem:v17+s13+$0x0], $0xffff;
	v8 =	vor.u32 v8, v12;
	[tilespmem:v53+s20+$0x0] =	vst.idx.msk $0xffff, v56  }
0x13a: {  	v55 =	vor.u32 v52, v13;
	v58 =	vor.u32 s28, v7;
	v15 =	vld.idx.msk [tilespmem:v46+s13+$0x0], $0xffff;
	[tilespmem:v47+s20+$0x0] =	vst.idx.msk $0xffff, v45  }
0x13b: {  	v60 =	vor.u32 s26, v7;
	[tilespmem:v49+s20+$0x0] =	vst.idx.msk $0xffff, v0;
	v0 =	vld.idx.msk [tilespmem:v11+s13+$0x0], $0xffff  }
0x13c: {  	[tilespmem:v50+s20+$0x0] =	vst.idx.msk $0xffff, v9;
	v13 =	vld.idx.msk [tilespmem:v14+s13+$0x0], $0xffff  }
0x13d: {  	v63 =	vld.idx.msk [tilespmem:v59+s13+$0x0], $0xffff;
	[tilespmem:v61+s20+$0x0] =	vst.idx.msk $0xffff, v22  }
0x13e: {  	[tilespmem:v51+s20+$0x0] =	vst.idx.msk $0xffff, v17;
	v8 =	vld.idx.msk [tilespmem:v8+s13+$0x0], $0xffff  }
0x13f: {  	s23 =	sadd.s32 $0x1, s23;
	v62 =	vor.u32 s29, v7;
	v10 =	vld.idx.msk [tilespmem:v55+s13+$0x0], $0xffff;
	[tilespmem:v58+s20+$0x0] =	vst.idx.msk $0xffff, v15  }
0x140: {  	p0 =	sne.s32 s23, $0x19;
	[tilespmem:v60+s20+$0x0] =	vst.idx.msk $0xffff, v0  }
.Ltmp5:
0x141: {  	s30 =	sshll.u32 s24, $0x12;
	[tilespmem:v18+s20+$0x0] =	vst.idx.msk $0xffff, v13;
	(pc) =	sbr.rel @p0 .LBB2_2-.Ltmp5, $4  }
0x142: {  	s0 =	sor.u32 s7, s30;
	[tilespmem:v19+s20+$0x0] =	vst.idx.msk $0xffff, v63  }
0x143: {  	s0 =	sshrl.u32 s0, $0x3;
	[tilespmem:v20+s20+$0x0] =	vst.idx.msk $0xffff, v8  }
0x144: {  	s0 =	sadd.s32 s31, s0;
	[tilespmem:v62+s20+$0x0] =	vst.idx.msk $0xffff, v10  }
0x145: {  	v0 =	vlaneseq.u32;
	[hbm4b:s0+s16] =	stream.strided.scatter [tilespmem:s20], [sflag:$0x4], $0x2000, s17, s16, $0x38;
	[tilespmem:$0xF800] =	vst v63  }
0x146: {  	s0 =	simm.s32 $0x3  }
0x147: {  	_ =	swait.ge [sflag:s0], $0x2000  }
0x148: {  	[sflag:s0] =	ssyncset.done $0x0  }
0x149: {  	[sflag:s0] =	ssyncadd.s32 $0xFFFFE000  }
0x14a: {  	_ =	swait.ge [sflag:s19], $0x2000  }
0x14b: {  	s1 =	rddreg [dreg:$0x6]  }
0x14c: {  	s30 =	rddreg [dreg:$0x5];
	s1 =	sadd.s32 $0x1, s1  }
0x14d: {  	p0 =	sne.s32 s1, s30  }
.Ltmp6:
0x14e: {  	_ = 	snop;
	(pc) =	sbr.rel @p0 .LBB2_1-.Ltmp6, $3  }
0x14f: {  	_ =	sdelay $0x1  }
0x150: {  	[sflag:s19] =	ssyncset.done $0x0  }
0x151: {  	[sflag:s19] =	ssyncadd.s32 $0xFFFFE000  }
0x152: {  	_ =	sfence.sel $0x180000  }
0x153: {  	[bflag:$0x0] =	sbarrier.arrive $0xFFFF  }
0x154: {  	_ =	strace $0x90000047  }
0x155: {  	s0 =	stileid.u32;
	[bflag:$0x2] =	sbarrier.arrive $0xFFFF  }
0x156: {  	p0 =	sne.s32 s0, $0x0;
	s0 =	rddreg [dreg:$0x2]  }
0x157: {  	s0 =	sadd.s32 @!p0 $0x100000, s0  }
0x158: {  	[sflag:s0] =	ssyncadd.tile.s32 @!p0 $0x1;
	_ =	shalt  }
.Lfunc_end2:
_tile_overlayer_lowered:
.L_overlay_start_2:
0x159: {  	(tag) =	ssettag $0x2  }
0x15a: {  	s0 =	rddreg [dreg:$0x0];
	s2 =	stileid.u32  }
0x15b: {  	s1 =	rddreg [dreg:$0x1];
	p0 =	sne.s32 s2, $0x0  }
0x15c: {  	s3 =	rddreg [dreg:$0x2];
	[bflag:$0x3] =	sbarrier.arrive $0xFFFF;
	s2 =	simm.s32 @!p0 $0x1C05  }
0x15d: {  	[timem:s3], [sflag:s2] =	dma.local @!p0 [hbm:s0], s1  }
0x15e: {  	s0 =	simm.s32 @!p0 $0x5  }
0x15f: {  	_ =	swait.ge @!p0 [sflag:s0], s1  }
0x160: {  	s1 =	ssub.s32 @!p0 $0x0, s1;
	[sflag:s0] =	ssyncset.done @!p0 $0x0  }
0x161: {  	[sflag:s0] =	ssyncadd.s32 @!p0 s1  }
0x162: {  	[bflag:$0x3] =	sbarrier.arrive $0xFFFF  }
0x163: {  	_ =	shalt  }

</sc_bundles>
